<compile_context>
chip_gen: v7x
topology: tpu7x:2x2x1
jax: 0.10.2.dev20260603
libtpu: 0.0.44.dev20260713+nightly
codegen_flags: <defaults>
</compile_context>

<pallas_src>
import functools
import math

import jax
import jax.numpy as jnp
from jax import lax
from jax.experimental import pallas as pl
from jax.experimental.pallas import tpu as pltpu
from jax.experimental.pallas import tpu_sc as plsc

E = 16
K = 2
H = 1024
F = 2048
CAPF = 1.25

TB = 256
FB = 512
CB = 512

NC, NS = 2, 16
NW = NC * NS


def _router_body(cap, nslot, x_ref, rw_ref, scale_ref, bias_ref,
                 xn_ref, sa_ref, sb_ref, wa_ref, wb_ref, counts_ref):
    i = pl.program_id(0)

    @pl.when(i == 0)
    def _():
        counts_ref[...] = jnp.zeros_like(counts_ref)

    xb = x_ref[...]
    mu = jnp.mean(xb, axis=-1, keepdims=True)
    xc = xb - mu
    var = jnp.mean(xc * xc, axis=-1, keepdims=True)
    xn = xc * jax.lax.rsqrt(var + 1e-5) * scale_ref[...] + bias_ref[...]
    xn_ref[...] = xn

    logits = jnp.dot(xn, rw_ref[...], preferred_element_type=jnp.float32)
    m = jnp.max(logits, axis=-1, keepdims=True)
    p = jnp.exp(logits - m)
    probs = p / jnp.sum(p, axis=-1, keepdims=True)

    iota = jax.lax.broadcasted_iota(jnp.int32, (TB, E), 1)
    v1 = jnp.max(probs, axis=-1, keepdims=True)
    a1 = jnp.min(jnp.where(probs == v1, iota, E), axis=-1, keepdims=True)
    probs2 = jnp.where(iota == a1, -1.0, probs)
    v2 = jnp.max(probs2, axis=-1, keepdims=True)
    a2 = jnp.min(jnp.where(probs2 == v2, iota, E), axis=-1, keepdims=True)
    ws = v1 + v2
    w1 = v1 / ws
    w2 = v2 / ws

    onehot = jnp.logical_or(iota == a1, iota == a2).astype(jnp.float32)
    r = jax.lax.broadcasted_iota(jnp.int32, (TB, TB), 0)
    c = jax.lax.broadcasted_iota(jnp.int32, (TB, TB), 1)
    tri = (r >= c).astype(jnp.float32)
    csum = jnp.dot(tri, onehot, preferred_element_type=jnp.float32,
                   precision=jax.lax.Precision.HIGHEST)
    base = counts_ref[...]
    pos = base + csum - 1.0
    counts_ref[...] = base + csum[TB - 1:TB, :]

    pos1 = jnp.sum(jnp.where(iota == a1, pos, 0.0), axis=-1, keepdims=True)
    pos2 = jnp.sum(jnp.where(iota == a2, pos, 0.0), axis=-1, keepdims=True)
    keep1 = pos1 < cap
    keep2 = pos2 < cap
    sa_ref[...] = jnp.where(keep1, a1 * cap + pos1.astype(jnp.int32), nslot)
    sb_ref[...] = jnp.where(keep2, a2 * cap + pos2.astype(jnp.int32), nslot)
    wa_ref[...] = jnp.where(keep1, w1, 0.0)
    wb_ref[...] = jnp.where(keep2, w2, 0.0)


def _router(x2d, rw, scale, bias, cap, nslot):
    t = x2d.shape[0]
    grid = (t // TB,)
    return pl.pallas_call(
        functools.partial(_router_body, cap, nslot),
        grid=grid,
        in_specs=[
            pl.BlockSpec((TB, H), lambda i: (i, 0)),
            pl.BlockSpec((H, E), lambda i: (0, 0)),
            pl.BlockSpec((1, H), lambda i: (0, 0)),
            pl.BlockSpec((1, H), lambda i: (0, 0)),
        ],
        out_specs=[
            pl.BlockSpec((TB, H), lambda i: (i, 0)),
            pl.BlockSpec((TB, 1), lambda i: (i, 0)),
            pl.BlockSpec((TB, 1), lambda i: (i, 0)),
            pl.BlockSpec((TB, 1), lambda i: (i, 0)),
            pl.BlockSpec((TB, 1), lambda i: (i, 0)),
        ],
        out_shape=[
            jax.ShapeDtypeStruct((t, H), jnp.float32),
            jax.ShapeDtypeStruct((t, 1), jnp.int32),
            jax.ShapeDtypeStruct((t, 1), jnp.int32),
            jax.ShapeDtypeStruct((t, 1), jnp.float32),
            jax.ShapeDtypeStruct((t, 1), jnp.float32),
        ],
        scratch_shapes=[pltpu.VMEM((1, E), jnp.float32)],
        compiler_params=pltpu.CompilerParams(
            dimension_semantics=("arbitrary",)),
    )(x2d, rw, scale, bias)


def _ffn_body(nj, cap, xin_ref, wg_ref, wu_ref, wd_ref, out_ref, acc_ref):
    j = pl.program_id(1)

    @pl.when(j == 0)
    def _():
        acc_ref[...] = jnp.zeros_like(acc_ref)

    xb = xin_ref[0].astype(jnp.bfloat16)
    wgb = wg_ref[0].astype(jnp.bfloat16)
    wub = wu_ref[0].astype(jnp.bfloat16)
    g = jnp.dot(xb, wgb, preferred_element_type=jnp.float32)
    u = jnp.dot(xb, wub, preferred_element_type=jnp.float32)
    hmid = g * jax.nn.sigmoid(g) * u
    acc_ref[...] += jnp.dot(hmid.astype(jnp.bfloat16),
                            wd_ref[0].astype(jnp.bfloat16),
                            preferred_element_type=jnp.float32)

    @pl.when(j == nj - 1)
    def _():
        out_ref[0] = acc_ref[...]


def _ffn(xin, wg, wu, wd, cap):
    nj = F // FB
    return pl.pallas_call(
        functools.partial(_ffn_body, nj, cap),
        grid=(E, nj),
        in_specs=[
            pl.BlockSpec((1, cap, H), lambda e, j: (e, 0, 0)),
            pl.BlockSpec((1, H, FB), lambda e, j: (e, 0, j)),
            pl.BlockSpec((1, H, FB), lambda e, j: (e, 0, j)),
            pl.BlockSpec((1, FB, H), lambda e, j: (e, j, 0)),
        ],
        out_specs=pl.BlockSpec((1, cap, H), lambda e, j: (e, 0, 0)),
        out_shape=jax.ShapeDtypeStruct((E, cap, H), jnp.float32),
        scratch_shapes=[pltpu.VMEM((cap, H), jnp.float32)],
        compiler_params=pltpu.CompilerParams(
            dimension_semantics=("arbitrary", "arbitrary")),
    )(xin, wg, wu, wd)


def _mesh():
    return plsc.VectorSubcoreMesh(
        core_axis_name="c", subcore_axis_name="s",
        num_cores=NC, num_subcores=NS)


def _dispatch(xn, sa, sb, t, nslot):
    spw = nslot // NW
    nch = 4
    ch = spw // nch

    @functools.partial(
        pl.kernel, mesh=_mesh(),
        out_type=[
            jax.ShapeDtypeStruct((nslot, H), jnp.float32),
            jax.ShapeDtypeStruct((nslot,), jnp.int32),
        ],
        scratch_types=[
            pltpu.VMEM((t,), jnp.int32),
            pltpu.VMEM((t,), jnp.int32),
            pltpu.VMEM((nslot + 16,), jnp.int32),
            pltpu.VMEM((nslot + 16,), jnp.int32),
            pltpu.VMEM((ch, H), jnp.float32),
            pltpu.SemaphoreType.DMA,
        ],
        compiler_params=pltpu.CompilerParams(needs_layout_passes=False),
    )
    def k(xn_hbm, sa_hbm, sb_hbm, out_hbm, sel2_hbm, sa_v, sb_v, sel_v,
          sel2_v, rows_v, sem):
        wid = lax.axis_index("s") * NC + lax.axis_index("c")
        pltpu.sync_copy(sa_hbm, sa_v)
        pltpu.sync_copy(sb_hbm, sb_v)

        def init(i, carry):
            sel_v[pl.ds(i * 16, 16)] = jnp.zeros((16,), jnp.int32)
            sel2_v[pl.ds(i * 16, 16)] = jnp.full((16,), t, jnp.int32)
            return carry
        lax.fori_loop(0, (nslot + 16) // 16, init, 0)

        def scat(i, carry):
            toks = i * 16 + lax.iota(jnp.int32, 16)
            va = sa_v[pl.ds(i * 16, 16)]
            vb = sb_v[pl.ds(i * 16, 16)]
            plsc.store_scatter(sel_v, [va], toks)
            plsc.store_scatter(sel_v, [vb], toks)
            plsc.store_scatter(sel2_v, [va], toks)
            plsc.store_scatter(sel2_v, [vb], toks + (t + 8))
            return carry
        lax.fori_loop(0, t // 16, scat, 0)

        base = wid * spw
        pltpu.sync_copy(sel2_v.at[pl.ds(base, spw)],
                        sel2_hbm.at[pl.ds(base, spw)])
        for c in range(nch):
            pltpu.async_copy(
                xn_hbm.at[sel_v.at[pl.ds(base + c * ch, ch)]],
                rows_v, sem).wait()
            pltpu.sync_copy(rows_v, out_hbm.at[pl.ds(base + c * ch, ch)])

    return k(xn, sa, sb)


def _unpermute(eo, sel2, t, nslot):
    spw = nslot // NW
    nch = 4
    ch = spw // nch

    @functools.partial(
        pl.kernel, mesh=_mesh(),
        out_type=jax.ShapeDtypeStruct((2 * (t + 8), H), jnp.float32),
        scratch_types=[
            [pltpu.VMEM((ch,), jnp.int32) for _ in range(2)],
            [pltpu.VMEM((ch, H), jnp.float32) for _ in range(2)],
            [pltpu.SemaphoreType.DMA for _ in range(2)],
            [pltpu.SemaphoreType.DMA for _ in range(2)],
        ],
        compiler_params=pltpu.CompilerParams(needs_layout_passes=False),
    )
    def k(eo_hbm, sel2_hbm, go_hbm, idx_v, rows_v, semg, semw):
        wid = lax.axis_index("s") * NC + lax.axis_index("c")
        base = wid * spw

        def start(c, s):
            pltpu.sync_copy(sel2_hbm.at[pl.ds(base + c * ch, ch)], idx_v[s])
            return pltpu.async_copy(eo_hbm.at[pl.ds(base + c * ch, ch)],
                                    rows_v[s], semg[s])

        pend = {0: start(0, 0)}
        writes = {}
        for c in range(nch):
            s = c % 2
            pend.pop(c).wait()
            if c + 1 < nch:
                if c - 1 in writes:
                    writes.pop(c - 1).wait()
                pend[c + 1] = start(c + 1, (c + 1) % 2)
            writes[c] = pltpu.async_copy(rows_v[s], go_hbm.at[idx_v[s]],
                                         semw[s])
        for cp in writes.values():
            cp.wait()

    return k(eo, sel2)


def _comb_body(x_ref, go_ref, wa_ref, wb_ref, out_ref):
    ga = go_ref[0]
    gb = go_ref[1]
    wa = wa_ref[...]
    wb = wb_ref[...]
    out_ref[...] = x_ref[...] \
        + jnp.where(wa > 0, wa * ga, 0.0) \
        + jnp.where(wb > 0, wb * gb, 0.0)


def _combine(x2d, go3, wa, wb, t):
    return pl.pallas_call(
        _comb_body,
        grid=(t // CB,),
        in_specs=[
            pl.BlockSpec((CB, H), lambda i: (i, 0)),
            pl.BlockSpec((2, CB, H), lambda i: (0, i, 0)),
            pl.BlockSpec((CB, 1), lambda i: (i, 0)),
            pl.BlockSpec((CB, 1), lambda i: (i, 0)),
        ],
        out_specs=pl.BlockSpec((CB, H), lambda i: (i, 0)),
        out_shape=jax.ShapeDtypeStruct((t, H), jnp.float32),
        compiler_params=pltpu.CompilerParams(
            dimension_semantics=("arbitrary",)),
    )(x2d, go3, wa, wb)


def kernel(x, router_weight, w_gate, w_up, w_down, ln_scale, ln_bias):
    b, s, _ = x.shape
    t = b * s
    cap = int(math.ceil(CAPF * t / E))
    nslot = E * cap

    x2d = x.reshape(t, H)
    xn, sa, sb, wa, wb = _router(
        x2d, router_weight, ln_scale.reshape(1, H), ln_bias.reshape(1, H),
        cap, nslot)
    sa = sa.reshape(t)
    sb = sb.reshape(t)

    xin, sel2 = _dispatch(xn, sa, sb, t, nslot)
    eo = _ffn(xin.reshape(E, cap, H), w_gate, w_up, w_down, cap)
    go = _unpermute(eo.reshape(nslot, H), sel2, t, nslot)
    go3 = go.reshape(2, t + 8, H)
    out = _combine(x2d, go3, wa, wb, t)
    return out.reshape(b, s, H)

# --- scband reference (transcript-rebuilt; emitter-appended) ---
"""Pipeline reference for scband-triton-mo-elayer-79534204387703 (READ-ONLY COPY).

The authoritative reference and input builder live on the scoring server;
editing this copy changes nothing except your own understanding.
"""

import jax, jax.numpy as jnp
import numpy as np
import math

NUM_EXPERTS = 16
TOP_K = 2
HIDDEN = 1024
FFN = 2048
CAP_FACTOR = 1.25


def setup_inputs(seed: int = 0) -> dict:
    key = jax.random.key(seed)
    ks = jax.random.split(key, 6)
    B, S = 2, 2048
    x = jax.random.normal(ks[0], (B, S, HIDDEN), dtype=jnp.float32)
    router_weight = jax.random.normal(ks[1], (HIDDEN, NUM_EXPERTS), dtype=jnp.float32) * 0.01
    lim = math.sqrt(6.0 / (HIDDEN + FFN))
    w_gate = jax.random.uniform(ks[2], (NUM_EXPERTS, HIDDEN, FFN), minval=-lim, maxval=lim, dtype=jnp.float32)
    w_up = jax.random.uniform(ks[3], (NUM_EXPERTS, HIDDEN, FFN), minval=-lim, maxval=lim, dtype=jnp.float32)
    w_down = jax.random.uniform(ks[4], (NUM_EXPERTS, FFN, HIDDEN), minval=-lim, maxval=lim, dtype=jnp.float32)
    ln_scale = jnp.ones((HIDDEN,), jnp.float32)
    ln_bias = jnp.zeros((HIDDEN,), jnp.float32)
    return {"x": x, "router_weight": router_weight, "w_gate": w_gate, "w_up": w_up,
            "w_down": w_down, "ln_scale": ln_scale, "ln_bias": ln_bias}


def _layernorm(x, scale, bias, eps=1e-5):
    mu = jnp.mean(x, axis=-1, keepdims=True)
    var = jnp.var(x, axis=-1, keepdims=True)
    return (x - mu) / jnp.sqrt(var + eps) * scale + bias


def reference(x, router_weight, w_gate, w_up, w_down, ln_scale, ln_bias):
    B, S, H = x.shape
    T = B * S
    residual = x
    xn = _layernorm(x, ln_scale, ln_bias)
    tokens = xn.reshape(T, H)
    # fused_router_dispatch: logits -> softmax -> top-k -> renormalize
    logits = tokens @ router_weight
    probs = jax.nn.softmax(logits.astype(jnp.float32), axis=-1)
    weights, idx = jax.lax.top_k(probs, TOP_K)
    weights = weights / jnp.sum(weights, axis=-1, keepdims=True)
    capacity = int(math.ceil(CAP_FACTOR * T / NUM_EXPERTS))
    output = jnp.zeros((T, H), jnp.float32)
    for e in range(NUM_EXPERTS):
        mask_k = (idx == e)                      # (T, K)
        mask = jnp.any(mask_k, axis=-1)          # (T,)
        pos = jnp.cumsum(mask.astype(jnp.int32)) - 1
        keep = jnp.logical_and(mask, pos < capacity)
        order = jnp.argsort(jnp.logical_not(keep), stable=True)  # kept tokens first, in token order
        sel = order[:capacity]                   # (cap,) unique token ids
        sel_tok = tokens[sel]                    # (cap, H)
        # fused_swiglu_expert
        gate = jax.nn.silu(sel_tok @ w_gate[e])
        up = sel_tok @ w_up[e]
        out_e = (gate * up) @ w_down[e]          # (cap, H)
        # fused_scatter_gather: weighted combine back to token positions
        wt = jnp.sum(weights * mask_k.astype(weights.dtype), axis=-1)  # (T,)
        contrib = out_e * keep[sel][:, None].astype(out_e.dtype) * wt[sel][:, None]
        output = output.at[sel].add(contrib)
    return output.reshape(B, S, H) + residual

if __name__ == "__main__":
    import jax
    _d = setup_inputs()
    print(jax.jit(kernel)(*tuple(_d.values())))

</pallas_src>

<mosaic_0001>
#map = affine_map<(d0, d1) -> (0, 0)>
#map1 = affine_map<(d0, d1) -> (0)>
module attributes {stable_mosaic.version = 14 : i64} {
  func.func @k(%arg0: i32, %arg1: i32, %arg2: memref<5120x1024xf32, #tpu.memory_space<hbm>>, %arg3: memref<5120xi32, #tpu.memory_space<hbm>>, %arg4: memref<8208x1024xf32, #tpu.memory_space<hbm>>, %arg5: memref<40xi32, #tpu.memory_space<vmem>>, %arg6: memref<40xi32, #tpu.memory_space<vmem>>, %arg7: memref<40x1024xf32, #tpu.memory_space<vmem>>, %arg8: memref<40x1024xf32, #tpu.memory_space<vmem>>, %arg9: memref<!tpu.dma_semaphore, #tpu.memory_space<semaphore_mem>>, %arg10: memref<!tpu.dma_semaphore, #tpu.memory_space<semaphore_mem>>, %arg11: memref<!tpu.dma_semaphore, #tpu.memory_space<semaphore_mem>>, %arg12: memref<!tpu.dma_semaphore, #tpu.memory_space<semaphore_mem>>) attributes {dimension_semantics = [#tpu.dimension_semantics<core_parallel>, #tpu.dimension_semantics<subcore_parallel>], iteration_bounds = array<i64: 2, 16>, scalar_prefetch = 0 : i64, scratch_operands = 8 : i64, tpu.core_type = #tpu.core_type<sc_vector_subcore>, window_params = [{transform_indices = #map}, {transform_indices = #map1}, {transform_indices = #map}]} {
    %mul3A = arith.constant 2 : i32
    %mul3A_0 = arith.muli %arg1, %mul3A : i32
    %add3A = arith.addi %mul3A_0, %arg0 : i32
    %mul3A_1 = arith.constant 160 : i32
    %mul3A_2 = arith.muli %add3A, %mul3A_1 : i32
    %add3A_3 = arith.constant 0 : i32
    %add3A_4 = arith.addi %mul3A_2, %add3A_3 : i32
    "tpu.region"() ({
      %run_scoped3A = tpu.sem_alloc : memref<!tpu.dma_semaphore, #tpu.memory_space<semaphore_mem>>
      %dma_start3A_73 = tpu.memref_slice %arg3[%add3A_4] : memref<5120xi32, #tpu.memory_space<hbm>> -> memref<40xi32, #tpu.memory_space<hbm>>
      %dma_start3A_74 = tpu.memref_slice %arg3[%add3A_4] : memref<5120xi32, #tpu.memory_space<hbm>> -> memref<40xi32, #tpu.memory_space<hbm>>
      tpu.enqueue_dma source(%dma_start3A_74 : memref<40xi32, #tpu.memory_space<hbm>>) target(%arg5 : memref<40xi32, #tpu.memory_space<vmem>>) target_semaphore(%run_scoped3A : memref<!tpu.dma_semaphore, #tpu.memory_space<semaphore_mem>>)
      %dma_wait3A_75 = tpu.memref_slice %arg3[%add3A_4] : memref<5120xi32, #tpu.memory_space<hbm>> -> memref<40xi32, #tpu.memory_space<hbm>>
      %dma_wait3A_76 = tpu.memref_slice %arg3[%add3A_4] : memref<5120xi32, #tpu.memory_space<hbm>> -> memref<40xi32, #tpu.memory_space<hbm>>
      tpu.wait_dma2 semaphore(%run_scoped3A : memref<!tpu.dma_semaphore, #tpu.memory_space<semaphore_mem>>) src(%dma_wait3A_76 : memref<40xi32, #tpu.memory_space<hbm>>) dst(%arg5 : memref<40xi32, #tpu.memory_space<vmem>>)
      tpu.yield
    }) : () -> ()
    %add3A_5 = arith.constant 0 : i32
    %add3A_6 = arith.addi %mul3A_2, %add3A_5 : i32
    %dma_start3A = arith.constant 0 : i32
    %dma_start3A_7 = tpu.memref_slice %arg2[%add3A_6, %dma_start3A] : memref<5120x1024xf32, #tpu.memory_space<hbm>> -> memref<40x1024xf32, #tpu.memory_space<hbm>>
    %dma_start3A_8 = arith.constant 0 : i32
    %dma_start3A_9 = tpu.memref_slice %arg2[%add3A_6, %dma_start3A_8] : memref<5120x1024xf32, #tpu.memory_space<hbm>> -> memref<40x1024xf32, #tpu.memory_space<hbm>>
    tpu.enqueue_dma source(%dma_start3A_9 : memref<40x1024xf32, #tpu.memory_space<hbm>>) target(%arg7 : memref<40x1024xf32, #tpu.memory_space<vmem>>) target_semaphore(%arg9 : memref<!tpu.dma_semaphore, #tpu.memory_space<semaphore_mem>>)
    %dma_wait3A = arith.constant 0 : i32
    %dma_wait3A_10 = tpu.memref_slice %arg2[%add3A_6, %dma_wait3A] : memref<5120x1024xf32, #tpu.memory_space<hbm>> -> memref<40x1024xf32, #tpu.memory_space<hbm>>
    %dma_wait3A_11 = arith.constant 0 : i32
    %dma_wait3A_12 = tpu.memref_slice %arg2[%add3A_6, %dma_wait3A_11] : memref<5120x1024xf32, #tpu.memory_space<hbm>> -> memref<40x1024xf32, #tpu.memory_space<hbm>>
    tpu.wait_dma2 semaphore(%arg9 : memref<!tpu.dma_semaphore, #tpu.memory_space<semaphore_mem>>) src(%dma_wait3A_12 : memref<40x1024xf32, #tpu.memory_space<hbm>>) dst(%arg7 : memref<40x1024xf32, #tpu.memory_space<vmem>>)
    %add3A_13 = arith.constant 40 : i32
    %add3A_14 = arith.addi %mul3A_2, %add3A_13 : i32
    "tpu.region"() ({
      %run_scoped3A = tpu.sem_alloc : memref<!tpu.dma_semaphore, #tpu.memory_space<semaphore_mem>>
      %dma_start3A_73 = tpu.memref_slice %arg3[%add3A_14] : memref<5120xi32, #tpu.memory_space<hbm>> -> memref<40xi32, #tpu.memory_space<hbm>>
      %dma_start3A_74 = tpu.memref_slice %arg3[%add3A_14] : memref<5120xi32, #tpu.memory_space<hbm>> -> memref<40xi32, #tpu.memory_space<hbm>>
      tpu.enqueue_dma source(%dma_start3A_74 : memref<40xi32, #tpu.memory_space<hbm>>) target(%arg6 : memref<40xi32, #tpu.memory_space<vmem>>) target_semaphore(%run_scoped3A : memref<!tpu.dma_semaphore, #tpu.memory_space<semaphore_mem>>)
      %dma_wait3A_75 = tpu.memref_slice %arg3[%add3A_14] : memref<5120xi32, #tpu.memory_space<hbm>> -> memref<40xi32, #tpu.memory_space<hbm>>
      %dma_wait3A_76 = tpu.memref_slice %arg3[%add3A_14] : memref<5120xi32, #tpu.memory_space<hbm>> -> memref<40xi32, #tpu.memory_space<hbm>>
      tpu.wait_dma2 semaphore(%run_scoped3A : memref<!tpu.dma_semaphore, #tpu.memory_space<semaphore_mem>>) src(%dma_wait3A_76 : memref<40xi32, #tpu.memory_space<hbm>>) dst(%arg6 : memref<40xi32, #tpu.memory_space<vmem>>)
      tpu.yield
    }) : () -> ()
    %add3A_15 = arith.constant 40 : i32
    %add3A_16 = arith.addi %mul3A_2, %add3A_15 : i32
    %dma_start3A_17 = arith.constant 0 : i32
    %dma_start3A_18 = tpu.memref_slice %arg2[%add3A_16, %dma_start3A_17] : memref<5120x1024xf32, #tpu.memory_space<hbm>> -> memref<40x1024xf32, #tpu.memory_space<hbm>>
    %dma_start3A_19 = arith.constant 0 : i32
    %dma_start3A_20 = tpu.memref_slice %arg2[%add3A_16, %dma_start3A_19] : memref<5120x1024xf32, #tpu.memory_space<hbm>> -> memref<40x1024xf32, #tpu.memory_space<hbm>>
    tpu.enqueue_dma source(%dma_start3A_20 : memref<40x1024xf32, #tpu.memory_space<hbm>>) target(%arg8 : memref<40x1024xf32, #tpu.memory_space<vmem>>) target_semaphore(%arg10 : memref<!tpu.dma_semaphore, #tpu.memory_space<semaphore_mem>>)
    %dma_start3A_21 = arith.constant 0 : i32
    %dma_start3A_22 = arith.constant 0 : i32
    %dma_start3A_23 = tpu.memref_slice %arg4[%dma_start3A_21, %dma_start3A_22] : memref<8208x1024xf32, #tpu.memory_space<hbm>> -> memref<8208x1024xf32, #tpu.memory_space<hbm>>
    tpu.enqueue_indirect_dma source(%arg7 : memref<40x1024xf32, #tpu.memory_space<vmem>>) target(%dma_start3A_23 : memref<8208x1024xf32, #tpu.memory_space<hbm>>) offsets(%arg5 : memref<40xi32, #tpu.memory_space<vmem>>) semaphore(%arg11 : memref<!tpu.dma_semaphore, #tpu.memory_space<semaphore_mem>>)
    %dma_wait3A_24 = arith.constant 0 : i32
    %dma_wait3A_25 = tpu.memref_slice %arg2[%add3A_16, %dma_wait3A_24] : memref<5120x1024xf32, #tpu.memory_space<hbm>> -> memref<40x1024xf32, #tpu.memory_space<hbm>>
    %dma_wait3A_26 = arith.constant 0 : i32
    %dma_wait3A_27 = tpu.memref_slice %arg2[%add3A_16, %dma_wait3A_26] : memref<5120x1024xf32, #tpu.memory_space<hbm>> -> memref<40x1024xf32, #tpu.memory_space<hbm>>
    tpu.wait_dma2 semaphore(%arg10 : memref<!tpu.dma_semaphore, #tpu.memory_space<semaphore_mem>>) src(%dma_wait3A_27 : memref<40x1024xf32, #tpu.memory_space<hbm>>) dst(%arg8 : memref<40x1024xf32, #tpu.memory_space<vmem>>)
    %dma_wait3A_28 = arith.constant 0 : i32
    %dma_wait3A_29 = arith.constant 0 : i32
    %dma_wait3A_30 = tpu.memref_slice %arg4[%dma_wait3A_28, %dma_wait3A_29] : memref<8208x1024xf32, #tpu.memory_space<hbm>> -> memref<8208x1024xf32, #tpu.memory_space<hbm>>
    tpu.wait_indirect_dma semaphore(%arg11 : memref<!tpu.dma_semaphore, #tpu.memory_space<semaphore_mem>>) src(%arg7 : memref<40x1024xf32, #tpu.memory_space<vmem>>) dst(%dma_wait3A_30 : memref<8208x1024xf32, #tpu.memory_space<hbm>>)
    %add3A_31 = arith.constant 80 : i32
    %add3A_32 = arith.addi %mul3A_2, %add3A_31 : i32
    "tpu.region"() ({
      %run_scoped3A = tpu.sem_alloc : memref<!tpu.dma_semaphore, #tpu.memory_space<semaphore_mem>>
      %dma_start3A_73 = tpu.memref_slice %arg3[%add3A_32] : memref<5120xi32, #tpu.memory_space<hbm>> -> memref<40xi32, #tpu.memory_space<hbm>>
      %dma_start3A_74 = tpu.memref_slice %arg3[%add3A_32] : memref<5120xi32, #tpu.memory_space<hbm>> -> memref<40xi32, #tpu.memory_space<hbm>>
      tpu.enqueue_dma source(%dma_start3A_74 : memref<40xi32, #tpu.memory_space<hbm>>) target(%arg5 : memref<40xi32, #tpu.memory_space<vmem>>) target_semaphore(%run_scoped3A : memref<!tpu.dma_semaphore, #tpu.memory_space<semaphore_mem>>)
      %dma_wait3A_75 = tpu.memref_slice %arg3[%add3A_32] : memref<5120xi32, #tpu.memory_space<hbm>> -> memref<40xi32, #tpu.memory_space<hbm>>
      %dma_wait3A_76 = tpu.memref_slice %arg3[%add3A_32] : memref<5120xi32, #tpu.memory_space<hbm>> -> memref<40xi32, #tpu.memory_space<hbm>>
      tpu.wait_dma2 semaphore(%run_scoped3A : memref<!tpu.dma_semaphore, #tpu.memory_space<semaphore_mem>>) src(%dma_wait3A_76 : memref<40xi32, #tpu.memory_space<hbm>>) dst(%arg5 : memref<40xi32, #tpu.memory_space<vmem>>)
      tpu.yield
    }) : () -> ()
    %add3A_33 = arith.constant 80 : i32
    %add3A_34 = arith.addi %mul3A_2, %add3A_33 : i32
    %dma_start3A_35 = arith.constant 0 : i32
    %dma_start3A_36 = tpu.memref_slice %arg2[%add3A_34, %dma_start3A_35] : memref<5120x1024xf32, #tpu.memory_space<hbm>> -> memref<40x1024xf32, #tpu.memory_space<hbm>>
    %dma_start3A_37 = arith.constant 0 : i32
    %dma_start3A_38 = tpu.memref_slice %arg2[%add3A_34, %dma_start3A_37] : memref<5120x1024xf32, #tpu.memory_space<hbm>> -> memref<40x1024xf32, #tpu.memory_space<hbm>>
    tpu.enqueue_dma source(%dma_start3A_38 : memref<40x1024xf32, #tpu.memory_space<hbm>>) target(%arg7 : memref<40x1024xf32, #tpu.memory_space<vmem>>) target_semaphore(%arg9 : memref<!tpu.dma_semaphore, #tpu.memory_space<semaphore_mem>>)
    %dma_start3A_39 = arith.constant 0 : i32
    %dma_start3A_40 = arith.constant 0 : i32
    %dma_start3A_41 = tpu.memref_slice %arg4[%dma_start3A_39, %dma_start3A_40] : memref<8208x1024xf32, #tpu.memory_space<hbm>> -> memref<8208x1024xf32, #tpu.memory_space<hbm>>
    tpu.enqueue_indirect_dma source(%arg8 : memref<40x1024xf32, #tpu.memory_space<vmem>>) target(%dma_start3A_41 : memref<8208x1024xf32, #tpu.memory_space<hbm>>) offsets(%arg6 : memref<40xi32, #tpu.memory_space<vmem>>) semaphore(%arg12 : memref<!tpu.dma_semaphore, #tpu.memory_space<semaphore_mem>>)
    %dma_wait3A_42 = arith.constant 0 : i32
    %dma_wait3A_43 = tpu.memref_slice %arg2[%add3A_34, %dma_wait3A_42] : memref<5120x1024xf32, #tpu.memory_space<hbm>> -> memref<40x1024xf32, #tpu.memory_space<hbm>>
    %dma_wait3A_44 = arith.constant 0 : i32
    %dma_wait3A_45 = tpu.memref_slice %arg2[%add3A_34, %dma_wait3A_44] : memref<5120x1024xf32, #tpu.memory_space<hbm>> -> memref<40x1024xf32, #tpu.memory_space<hbm>>
    tpu.wait_dma2 semaphore(%arg9 : memref<!tpu.dma_semaphore, #tpu.memory_space<semaphore_mem>>) src(%dma_wait3A_45 : memref<40x1024xf32, #tpu.memory_space<hbm>>) dst(%arg7 : memref<40x1024xf32, #tpu.memory_space<vmem>>)
    %dma_wait3A_46 = arith.constant 0 : i32
    %dma_wait3A_47 = arith.constant 0 : i32
    %dma_wait3A_48 = tpu.memref_slice %arg4[%dma_wait3A_46, %dma_wait3A_47] : memref<8208x1024xf32, #tpu.memory_space<hbm>> -> memref<8208x1024xf32, #tpu.memory_space<hbm>>
    tpu.wait_indirect_dma semaphore(%arg12 : memref<!tpu.dma_semaphore, #tpu.memory_space<semaphore_mem>>) src(%arg8 : memref<40x1024xf32, #tpu.memory_space<vmem>>) dst(%dma_wait3A_48 : memref<8208x1024xf32, #tpu.memory_space<hbm>>)
    %add3A_49 = arith.constant 120 : i32
    %add3A_50 = arith.addi %mul3A_2, %add3A_49 : i32
    "tpu.region"() ({
      %run_scoped3A = tpu.sem_alloc : memref<!tpu.dma_semaphore, #tpu.memory_space<semaphore_mem>>
      %dma_start3A_73 = tpu.memref_slice %arg3[%add3A_50] : memref<5120xi32, #tpu.memory_space<hbm>> -> memref<40xi32, #tpu.memory_space<hbm>>
      %dma_start3A_74 = tpu.memref_slice %arg3[%add3A_50] : memref<5120xi32, #tpu.memory_space<hbm>> -> memref<40xi32, #tpu.memory_space<hbm>>
      tpu.enqueue_dma source(%dma_start3A_74 : memref<40xi32, #tpu.memory_space<hbm>>) target(%arg6 : memref<40xi32, #tpu.memory_space<vmem>>) target_semaphore(%run_scoped3A : memref<!tpu.dma_semaphore, #tpu.memory_space<semaphore_mem>>)
      %dma_wait3A_75 = tpu.memref_slice %arg3[%add3A_50] : memref<5120xi32, #tpu.memory_space<hbm>> -> memref<40xi32, #tpu.memory_space<hbm>>
      %dma_wait3A_76 = tpu.memref_slice %arg3[%add3A_50] : memref<5120xi32, #tpu.memory_space<hbm>> -> memref<40xi32, #tpu.memory_space<hbm>>
      tpu.wait_dma2 semaphore(%run_scoped3A : memref<!tpu.dma_semaphore, #tpu.memory_space<semaphore_mem>>) src(%dma_wait3A_76 : memref<40xi32, #tpu.memory_space<hbm>>) dst(%arg6 : memref<40xi32, #tpu.memory_space<vmem>>)
      tpu.yield
    }) : () -> ()
    %add3A_51 = arith.constant 120 : i32
    %add3A_52 = arith.addi %mul3A_2, %add3A_51 : i32
    %dma_start3A_53 = arith.constant 0 : i32
    %dma_start3A_54 = tpu.memref_slice %arg2[%add3A_52, %dma_start3A_53] : memref<5120x1024xf32, #tpu.memory_space<hbm>> -> memref<40x1024xf32, #tpu.memory_space<hbm>>
    %dma_start3A_55 = arith.constant 0 : i32
    %dma_start3A_56 = tpu.memref_slice %arg2[%add3A_52, %dma_start3A_55] : memref<5120x1024xf32, #tpu.memory_space<hbm>> -> memref<40x1024xf32, #tpu.memory_space<hbm>>
    tpu.enqueue_dma source(%dma_start3A_56 : memref<40x1024xf32, #tpu.memory_space<hbm>>) target(%arg8 : memref<40x1024xf32, #tpu.memory_space<vmem>>) target_semaphore(%arg10 : memref<!tpu.dma_semaphore, #tpu.memory_space<semaphore_mem>>)
    %dma_start3A_57 = arith.constant 0 : i32
    %dma_start3A_58 = arith.constant 0 : i32
    %dma_start3A_59 = tpu.memref_slice %arg4[%dma_start3A_57, %dma_start3A_58] : memref<8208x1024xf32, #tpu.memory_space<hbm>> -> memref<8208x1024xf32, #tpu.memory_space<hbm>>
    tpu.enqueue_indirect_dma source(%arg7 : memref<40x1024xf32, #tpu.memory_space<vmem>>) target(%dma_start3A_59 : memref<8208x1024xf32, #tpu.memory_space<hbm>>) offsets(%arg5 : memref<40xi32, #tpu.memory_space<vmem>>) semaphore(%arg11 : memref<!tpu.dma_semaphore, #tpu.memory_space<semaphore_mem>>)
    %dma_wait3A_60 = arith.constant 0 : i32
    %dma_wait3A_61 = tpu.memref_slice %arg2[%add3A_52, %dma_wait3A_60] : memref<5120x1024xf32, #tpu.memory_space<hbm>> -> memref<40x1024xf32, #tpu.memory_space<hbm>>
    %dma_wait3A_62 = arith.constant 0 : i32
    %dma_wait3A_63 = tpu.memref_slice %arg2[%add3A_52, %dma_wait3A_62] : memref<5120x1024xf32, #tpu.memory_space<hbm>> -> memref<40x1024xf32, #tpu.memory_space<hbm>>
    tpu.wait_dma2 semaphore(%arg10 : memref<!tpu.dma_semaphore, #tpu.memory_space<semaphore_mem>>) src(%dma_wait3A_63 : memref<40x1024xf32, #tpu.memory_space<hbm>>) dst(%arg8 : memref<40x1024xf32, #tpu.memory_space<vmem>>)
    %dma_start3A_64 = arith.constant 0 : i32
    %dma_start3A_65 = arith.constant 0 : i32
    %dma_start3A_66 = tpu.memref_slice %arg4[%dma_start3A_64, %dma_start3A_65] : memref<8208x1024xf32, #tpu.memory_space<hbm>> -> memref<8208x1024xf32, #tpu.memory_space<hbm>>
    tpu.enqueue_indirect_dma source(%arg8 : memref<40x1024xf32, #tpu.memory_space<vmem>>) target(%dma_start3A_66 : memref<8208x1024xf32, #tpu.memory_space<hbm>>) offsets(%arg6 : memref<40xi32, #tpu.memory_space<vmem>>) semaphore(%arg12 : memref<!tpu.dma_semaphore, #tpu.memory_space<semaphore_mem>>)
    %dma_wait3A_67 = arith.constant 0 : i32
    %dma_wait3A_68 = arith.constant 0 : i32
    %dma_wait3A_69 = tpu.memref_slice %arg4[%dma_wait3A_67, %dma_wait3A_68] : memref<8208x1024xf32, #tpu.memory_space<hbm>> -> memref<8208x1024xf32, #tpu.memory_space<hbm>>
    tpu.wait_indirect_dma semaphore(%arg11 : memref<!tpu.dma_semaphore, #tpu.memory_space<semaphore_mem>>) src(%arg7 : memref<40x1024xf32, #tpu.memory_space<vmem>>) dst(%dma_wait3A_69 : memref<8208x1024xf32, #tpu.memory_space<hbm>>)
    %dma_wait3A_70 = arith.constant 0 : i32
    %dma_wait3A_71 = arith.constant 0 : i32
    %dma_wait3A_72 = tpu.memref_slice %arg4[%dma_wait3A_70, %dma_wait3A_71] : memref<8208x1024xf32, #tpu.memory_space<hbm>> -> memref<8208x1024xf32, #tpu.memory_space<hbm>>
    tpu.wait_indirect_dma semaphore(%arg12 : memref<!tpu.dma_semaphore, #tpu.memory_space<semaphore_mem>>) src(%arg8 : memref<40x1024xf32, #tpu.memory_space<vmem>>) dst(%dma_wait3A_72 : memref<8208x1024xf32, #tpu.memory_space<hbm>>)
    return
  }
}

#map = affine_map<(d0, d1) -> (0, 0)>
#map1 = affine_map<(d0, d1) -> (0)>
module attributes {stable_mosaic.version = 14 : i64} {
  func.func @k(%arg0: i32, %arg1: i32, %arg2: memref<4096x1024xf32, #tpu.memory_space<hbm>>, %arg3: memref<4096xi32, #tpu.memory_space<hbm>>, %arg4: memref<4096xi32, #tpu.memory_space<hbm>>, %arg5: memref<5120x1024xf32, #tpu.memory_space<hbm>>, %arg6: memref<5120xi32, #tpu.memory_space<hbm>>, %arg7: memref<4096xi32, #tpu.memory_space<vmem>>, %arg8: memref<4096xi32, #tpu.memory_space<vmem>>, %arg9: memref<5136xi32, #tpu.memory_space<vmem>>, %arg10: memref<5136xi32, #tpu.memory_space<vmem>>, %arg11: memref<40x1024xf32, #tpu.memory_space<vmem>>, %arg12: memref<!tpu.dma_semaphore, #tpu.memory_space<semaphore_mem>>) attributes {dimension_semantics = [#tpu.dimension_semantics<core_parallel>, #tpu.dimension_semantics<subcore_parallel>], iteration_bounds = array<i64: 2, 16>, scalar_prefetch = 0 : i64, scratch_operands = 6 : i64, tpu.core_type = #tpu.core_type<sc_vector_subcore>, window_params = [{transform_indices = #map}, {transform_indices = #map1}, {transform_indices = #map1}, {transform_indices = #map}, {transform_indices = #map1}]} {
    %mul3A = arith.constant 2 : i32
    %mul3A_0 = arith.muli %arg1, %mul3A : i32
    %add3A = arith.addi %mul3A_0, %arg0 : i32
    "tpu.region"() ({
      %run_scoped3A = tpu.sem_alloc : memref<!tpu.dma_semaphore, #tpu.memory_space<semaphore_mem>>
      tpu.enqueue_dma source(%arg3 : memref<4096xi32, #tpu.memory_space<hbm>>) target(%arg7 : memref<4096xi32, #tpu.memory_space<vmem>>) target_semaphore(%run_scoped3A : memref<!tpu.dma_semaphore, #tpu.memory_space<semaphore_mem>>)
      tpu.wait_dma2 semaphore(%run_scoped3A : memref<!tpu.dma_semaphore, #tpu.memory_space<semaphore_mem>>) src(%arg3 : memref<4096xi32, #tpu.memory_space<hbm>>) dst(%arg7 : memref<4096xi32, #tpu.memory_space<vmem>>)
      tpu.yield
    }) : () -> ()
    "tpu.region"() ({
      %run_scoped3A = tpu.sem_alloc : memref<!tpu.dma_semaphore, #tpu.memory_space<semaphore_mem>>
      tpu.enqueue_dma source(%arg4 : memref<4096xi32, #tpu.memory_space<hbm>>) target(%arg8 : memref<4096xi32, #tpu.memory_space<vmem>>) target_semaphore(%run_scoped3A : memref<!tpu.dma_semaphore, #tpu.memory_space<semaphore_mem>>)
      tpu.wait_dma2 semaphore(%run_scoped3A : memref<!tpu.dma_semaphore, #tpu.memory_space<semaphore_mem>>) src(%arg4 : memref<4096xi32, #tpu.memory_space<hbm>>) dst(%arg8 : memref<4096xi32, #tpu.memory_space<vmem>>)
      tpu.yield
    }) : () -> ()
    %scan3A = arith.constant 0 : i32
    %scan3A_1 = arith.constant 0 : i32
    %scan3A_2 = arith.constant 321 : i32
    %scan3A_3 = arith.addi %scan3A_1, %scan3A_2 : i32
    %scan3A_4 = arith.constant 1 : i32
    scf.for %scan3A_60 = %scan3A_1 to %scan3A_3 step %scan3A_4  : i32 {
      %broadcast_in_dim3A = arith.constant 0 : i32
      %broadcast_in_dim3A_61 = vector.broadcast %broadcast_in_dim3A : i32 to vector<16xi32>
      %mul3A_62 = arith.constant 16 : i32
      %mul3A_63 = arith.muli %scan3A_60, %mul3A_62 : i32
      %swap3A = arith.index_cast %mul3A_63 : i32 to index
      %swap3A_64 = tpu.vector_load %arg9[%swap3A] {strides = array<i32>} : memref<5136xi32, #tpu.memory_space<vmem>>, vector<16xi32>,
      tpu.vector_store %arg9[%swap3A], %broadcast_in_dim3A_61 {strides = array<i32>} : memref<5136xi32, #tpu.memory_space<vmem>>, vector<16xi32>,
      %broadcast_in_dim3A_65 = arith.constant 4096 : i32
      %broadcast_in_dim3A_66 = vector.broadcast %broadcast_in_dim3A_65 : i32 to vector<16xi32>
      %mul3A_67 = arith.constant 16 : i32
      %mul3A_68 = arith.muli %scan3A_60, %mul3A_67 : i32
      %swap3A_69 = arith.index_cast %mul3A_68 : i32 to index
      %swap3A_70 = tpu.vector_load %arg10[%swap3A_69] {strides = array<i32>} : memref<5136xi32, #tpu.memory_space<vmem>>, vector<16xi32>,
      tpu.vector_store %arg10[%swap3A_69], %broadcast_in_dim3A_66 {strides = array<i32>} : memref<5136xi32, #tpu.memory_space<vmem>>, vector<16xi32>,
    }
    %scan3A_5 = arith.constant 321 : i32
    %scan3A_6 = arith.constant 0 : i32
    %scan3A_7 = arith.constant 0 : i32
    %scan3A_8 = arith.constant 256 : i32
    %scan3A_9 = arith.addi %scan3A_7, %scan3A_8 : i32
    %scan3A_10 = arith.constant 1 : i32
    scf.for %scan3A_60 = %scan3A_7 to %scan3A_9 step %scan3A_10  : i32 {
      %mul3A_61 = arith.constant 16 : i32
      %mul3A_62 = arith.muli %scan3A_60, %mul3A_61 : i32
      %iota3A = tpu.iota {dimensions = array<i32: 0>} : vector<16xi32>
      %add3A_63 = vector.broadcast %mul3A_62 : i32 to vector<16xi32>
      %add3A_64 = arith.addi %add3A_63, %iota3A : vector<16xi32>
      %mul3A_65 = arith.constant 16 : i32
      %mul3A_66 = arith.muli %scan3A_60, %mul3A_65 : i32
      %get3A = arith.index_cast %mul3A_66 : i32 to index
      %get3A_67 = tpu.vector_load %arg7[%get3A] {strides = array<i32>} : memref<4096xi32, #tpu.memory_space<vmem>>, vector<16xi32>,
      %mul3A_68 = arith.constant 16 : i32
      %mul3A_69 = arith.muli %scan3A_60, %mul3A_68 : i32
      %get3A_70 = arith.index_cast %mul3A_69 : i32 to index
      %get3A_71 = tpu.vector_load %arg8[%get3A_70] {strides = array<i32>} : memref<4096xi32, #tpu.memory_space<vmem>>, vector<16xi32>,
      tpu.vector_store_idx %arg9[%get3A_67], %add3A_64 : memref<5136xi32, #tpu.memory_space<vmem>>[vector<16xi32>], vector<16xi32>,
      tpu.vector_store_idx %arg9[%get3A_71], %add3A_64 : memref<5136xi32, #tpu.memory_space<vmem>>[vector<16xi32>], vector<16xi32>,
      tpu.vector_store_idx %arg10[%get3A_67], %add3A_64 : memref<5136xi32, #tpu.memory_space<vmem>>[vector<16xi32>], vector<16xi32>,
      %add3A_72 = arith.constant 4104 : i32
      %add3A_73 = vector.broadcast %add3A_72 : i32 to vector<16xi32>
      %add3A_74 = arith.addi %add3A_64, %add3A_73 : vector<16xi32>
      tpu.vector_store_idx %arg10[%get3A_71], %add3A_74 : memref<5136xi32, #tpu.memory_space<vmem>>[vector<16xi32>], vector<16xi32>,
    }
    %scan3A_11 = arith.constant 256 : i32
    %mul3A_12 = arith.constant 160 : i32
    %mul3A_13 = arith.muli %add3A, %mul3A_12 : i32
    "tpu.region"() ({
      %run_scoped3A = tpu.sem_alloc : memref<!tpu.dma_semaphore, #tpu.memory_space<semaphore_mem>>
      %dma_start3A_60 = tpu.memref_slice %arg10[%mul3A_13] : memref<5136xi32, #tpu.memory_space<vmem>> -> memref<160xi32, #tpu.memory_space<vmem>>
      %dma_start3A_61 = tpu.memref_slice %arg6[%mul3A_13] : memref<5120xi32, #tpu.memory_space<hbm>> -> memref<160xi32, #tpu.memory_space<hbm>>
      %dma_start3A_62 = tpu.memref_slice %arg6[%mul3A_13] : memref<5120xi32, #tpu.memory_space<hbm>> -> memref<160xi32, #tpu.memory_space<hbm>>
      %dma_start3A_63 = tpu.memref_slice %arg10[%mul3A_13] : memref<5136xi32, #tpu.memory_space<vmem>> -> memref<160xi32, #tpu.memory_space<vmem>>
      tpu.enqueue_dma source(%dma_start3A_63 : memref<160xi32, #tpu.memory_space<vmem>>) target(%dma_start3A_62 : memref<160xi32, #tpu.memory_space<hbm>>) target_semaphore(%run_scoped3A : memref<!tpu.dma_semaphore, #tpu.memory_space<semaphore_mem>>)
      %dma_wait3A_64 = tpu.memref_slice %arg10[%mul3A_13] : memref<5136xi32, #tpu.memory_space<vmem>> -> memref<160xi32, #tpu.memory_space<vmem>>
      %dma_wait3A_65 = tpu.memref_slice %arg6[%mul3A_13] : memref<5120xi32, #tpu.memory_space<hbm>> -> memref<160xi32, #tpu.memory_space<hbm>>
      %dma_wait3A_66 = tpu.memref_slice %arg6[%mul3A_13] : memref<5120xi32, #tpu.memory_space<hbm>> -> memref<160xi32, #tpu.memory_space<hbm>>
      %dma_wait3A_67 = tpu.memref_slice %arg10[%mul3A_13] : memref<5136xi32, #tpu.memory_space<vmem>> -> memref<160xi32, #tpu.memory_space<vmem>>
      tpu.wait_dma2 semaphore(%run_scoped3A : memref<!tpu.dma_semaphore, #tpu.memory_space<semaphore_mem>>) src(%dma_wait3A_67 : memref<160xi32, #tpu.memory_space<vmem>>) dst(%dma_wait3A_66 : memref<160xi32, #tpu.memory_space<hbm>>)
      tpu.yield
    }) : () -> ()
    %add3A_14 = arith.constant 0 : i32
    %add3A_15 = arith.addi %mul3A_13, %add3A_14 : i32
    %dma_start3A = tpu.memref_slice %arg9[%add3A_15] : memref<5136xi32, #tpu.memory_space<vmem>> -> memref<40xi32, #tpu.memory_space<vmem>>
    %dma_start3A_16 = arith.constant 0 : i32
    %dma_start3A_17 = arith.constant 0 : i32
    %dma_start3A_18 = tpu.memref_slice %arg2[%dma_start3A_16, %dma_start3A_17] : memref<4096x1024xf32, #tpu.memory_space<hbm>> -> memref<4096x1024xf32, #tpu.memory_space<hbm>>
    tpu.enqueue_indirect_dma source(%dma_start3A_18 : memref<4096x1024xf32, #tpu.memory_space<hbm>>) target(%arg11 : memref<40x1024xf32, #tpu.memory_space<vmem>>) offsets(%dma_start3A : memref<40xi32, #tpu.memory_space<vmem>>) semaphore(%arg12 : memref<!tpu.dma_semaphore, #tpu.memory_space<semaphore_mem>>)
    %dma_wait3A = tpu.memref_slice %arg9[%add3A_15] : memref<5136xi32, #tpu.memory_space<vmem>> -> memref<40xi32, #tpu.memory_space<vmem>>
    %dma_wait3A_19 = arith.constant 0 : i32
    %dma_wait3A_20 = arith.constant 0 : i32
    %dma_wait3A_21 = tpu.memref_slice %arg2[%dma_wait3A_19, %dma_wait3A_20] : memref<4096x1024xf32, #tpu.memory_space<hbm>> -> memref<4096x1024xf32, #tpu.memory_space<hbm>>
    tpu.wait_indirect_dma semaphore(%arg12 : memref<!tpu.dma_semaphore, #tpu.memory_space<semaphore_mem>>) src(%dma_wait3A_21 : memref<4096x1024xf32, #tpu.memory_space<hbm>>) dst(%arg11 : memref<40x1024xf32, #tpu.memory_space<vmem>>)
    %add3A_22 = arith.constant 0 : i32
    %add3A_23 = arith.addi %mul3A_13, %add3A_22 : i32
    "tpu.region"() ({
      %run_scoped3A = tpu.sem_alloc : memref<!tpu.dma_semaphore, #tpu.memory_space<semaphore_mem>>
      %dma_start3A_60 = arith.constant 0 : i32
      %dma_start3A_61 = tpu.memref_slice %arg5[%add3A_23, %dma_start3A_60] : memref<5120x1024xf32, #tpu.memory_space<hbm>> -> memref<40x1024xf32, #tpu.memory_space<hbm>>
      %dma_start3A_62 = arith.constant 0 : i32
      %dma_start3A_63 = tpu.memref_slice %arg5[%add3A_23, %dma_start3A_62] : memref<5120x1024xf32, #tpu.memory_space<hbm>> -> memref<40x1024xf32, #tpu.memory_space<hbm>>
      tpu.enqueue_dma source(%arg11 : memref<40x1024xf32, #tpu.memory_space<vmem>>) target(%dma_start3A_63 : memref<40x1024xf32, #tpu.memory_space<hbm>>) target_semaphore(%run_scoped3A : memref<!tpu.dma_semaphore, #tpu.memory_space<semaphore_mem>>)
      %dma_wait3A_64 = arith.constant 0 : i32
      %dma_wait3A_65 = tpu.memref_slice %arg5[%add3A_23, %dma_wait3A_64] : memref<5120x1024xf32, #tpu.memory_space<hbm>> -> memref<40x1024xf32, #tpu.memory_space<hbm>>
      %dma_wait3A_66 = arith.constant 0 : i32
      %dma_wait3A_67 = tpu.memref_slice %arg5[%add3A_23, %dma_wait3A_66] : memref<5120x1024xf32, #tpu.memory_space<hbm>> -> memref<40x1024xf32, #tpu.memory_space<hbm>>
      tpu.wait_dma2 semaphore(%run_scoped3A : memref<!tpu.dma_semaphore, #tpu.memory_space<semaphore_mem>>) src(%arg11 : memref<40x1024xf32, #tpu.memory_space<vmem>>) dst(%dma_wait3A_67 : memref<40x1024xf32, #tpu.memory_space<hbm>>)
      tpu.yield
    }) : () -> ()
    %add3A_24 = arith.constant 40 : i32
    %add3A_25 = arith.addi %mul3A_13, %add3A_24 : i32
    %dma_start3A_26 = tpu.memref_slice %arg9[%add3A_25] : memref<5136xi32, #tpu.memory_space<vmem>> -> memref<40xi32, #tpu.memory_space<vmem>>
    %dma_start3A_27 = arith.constant 0 : i32
    %dma_start3A_28 = arith.constant 0 : i32
    %dma_start3A_29 = tpu.memref_slice %arg2[%dma_start3A_27, %dma_start3A_28] : memref<4096x1024xf32, #tpu.memory_space<hbm>> -> memref<4096x1024xf32, #tpu.memory_space<hbm>>
    tpu.enqueue_indirect_dma source(%dma_start3A_29 : memref<4096x1024xf32, #tpu.memory_space<hbm>>) target(%arg11 : memref<40x1024xf32, #tpu.memory_space<vmem>>) offsets(%dma_start3A_26 : memref<40xi32, #tpu.memory_space<vmem>>) semaphore(%arg12 : memref<!tpu.dma_semaphore, #tpu.memory_space<semaphore_mem>>)
    %dma_wait3A_30 = tpu.memref_slice %arg9[%add3A_25] : memref<5136xi32, #tpu.memory_space<vmem>> -> memref<40xi32, #tpu.memory_space<vmem>>
    %dma_wait3A_31 = arith.constant 0 : i32
    %dma_wait3A_32 = arith.constant 0 : i32
    %dma_wait3A_33 = tpu.memref_slice %arg2[%dma_wait3A_31, %dma_wait3A_32] : memref<4096x1024xf32, #tpu.memory_space<hbm>> -> memref<4096x1024xf32, #tpu.memory_space<hbm>>
    tpu.wait_indirect_dma semaphore(%arg12 : memref<!tpu.dma_semaphore, #tpu.memory_space<semaphore_mem>>) src(%dma_wait3A_33 : memref<4096x1024xf32, #tpu.memory_space<hbm>>) dst(%arg11 : memref<40x1024xf32, #tpu.memory_space<vmem>>)
    %add3A_34 = arith.constant 40 : i32
    %add3A_35 = arith.addi %mul3A_13, %add3A_34 : i32
    "tpu.region"() ({
      %run_scoped3A = tpu.sem_alloc : memref<!tpu.dma_semaphore, #tpu.memory_space<semaphore_mem>>
      %dma_start3A_60 = arith.constant 0 : i32
      %dma_start3A_61 = tpu.memref_slice %arg5[%add3A_35, %dma_start3A_60] : memref<5120x1024xf32, #tpu.memory_space<hbm>> -> memref<40x1024xf32, #tpu.memory_space<hbm>>
      %dma_start3A_62 = arith.constant 0 : i32
      %dma_start3A_63 = tpu.memref_slice %arg5[%add3A_35, %dma_start3A_62] : memref<5120x1024xf32, #tpu.memory_space<hbm>> -> memref<40x1024xf32, #tpu.memory_space<hbm>>
      tpu.enqueue_dma source(%arg11 : memref<40x1024xf32, #tpu.memory_space<vmem>>) target(%dma_start3A_63 : memref<40x1024xf32, #tpu.memory_space<hbm>>) target_semaphore(%run_scoped3A : memref<!tpu.dma_semaphore, #tpu.memory_space<semaphore_mem>>)
      %dma_wait3A_64 = arith.constant 0 : i32
      %dma_wait3A_65 = tpu.memref_slice %arg5[%add3A_35, %dma_wait3A_64] : memref<5120x1024xf32, #tpu.memory_space<hbm>> -> memref<40x1024xf32, #tpu.memory_space<hbm>>
      %dma_wait3A_66 = arith.constant 0 : i32
      %dma_wait3A_67 = tpu.memref_slice %arg5[%add3A_35, %dma_wait3A_66] : memref<5120x1024xf32, #tpu.memory_space<hbm>> -> memref<40x1024xf32, #tpu.memory_space<hbm>>
      tpu.wait_dma2 semaphore(%run_scoped3A : memref<!tpu.dma_semaphore, #tpu.memory_space<semaphore_mem>>) src(%arg11 : memref<40x1024xf32, #tpu.memory_space<vmem>>) dst(%dma_wait3A_67 : memref<40x1024xf32, #tpu.memory_space<hbm>>)
      tpu.yield
    }) : () -> ()
    %add3A_36 = arith.constant 80 : i32
    %add3A_37 = arith.addi %mul3A_13, %add3A_36 : i32
    %dma_start3A_38 = tpu.memref_slice %arg9[%add3A_37] : memref<5136xi32, #tpu.memory_space<vmem>> -> memref<40xi32, #tpu.memory_space<vmem>>
    %dma_start3A_39 = arith.constant 0 : i32
    %dma_start3A_40 = arith.constant 0 : i32
    %dma_start3A_41 = tpu.memref_slice %arg2[%dma_start3A_39, %dma_start3A_40] : memref<4096x1024xf32, #tpu.memory_space<hbm>> -> memref<4096x1024xf32, #tpu.memory_space<hbm>>
    tpu.enqueue_indirect_dma source(%dma_start3A_41 : memref<4096x1024xf32, #tpu.memory_space<hbm>>) target(%arg11 : memref<40x1024xf32, #tpu.memory_space<vmem>>) offsets(%dma_start3A_38 : memref<40xi32, #tpu.memory_space<vmem>>) semaphore(%arg12 : memref<!tpu.dma_semaphore, #tpu.memory_space<semaphore_mem>>)
    %dma_wait3A_42 = tpu.memref_slice %arg9[%add3A_37] : memref<5136xi32, #tpu.memory_space<vmem>> -> memref<40xi32, #tpu.memory_space<vmem>>
    %dma_wait3A_43 = arith.constant 0 : i32
    %dma_wait3A_44 = arith.constant 0 : i32
    %dma_wait3A_45 = tpu.memref_slice %arg2[%dma_wait3A_43, %dma_wait3A_44] : memref<4096x1024xf32, #tpu.memory_space<hbm>> -> memref<4096x1024xf32, #tpu.memory_space<hbm>>
    tpu.wait_indirect_dma semaphore(%arg12 : memref<!tpu.dma_semaphore, #tpu.memory_space<semaphore_mem>>) src(%dma_wait3A_45 : memref<4096x1024xf32, #tpu.memory_space<hbm>>) dst(%arg11 : memref<40x1024xf32, #tpu.memory_space<vmem>>)
    %add3A_46 = arith.constant 80 : i32
    %add3A_47 = arith.addi %mul3A_13, %add3A_46 : i32
    "tpu.region"() ({
      %run_scoped3A = tpu.sem_alloc : memref<!tpu.dma_semaphore, #tpu.memory_space<semaphore_mem>>
      %dma_start3A_60 = arith.constant 0 : i32
      %dma_start3A_61 = tpu.memref_slice %arg5[%add3A_47, %dma_start3A_60] : memref<5120x1024xf32, #tpu.memory_space<hbm>> -> memref<40x1024xf32, #tpu.memory_space<hbm>>
      %dma_start3A_62 = arith.constant 0 : i32
      %dma_start3A_63 = tpu.memref_slice %arg5[%add3A_47, %dma_start3A_62] : memref<5120x1024xf32, #tpu.memory_space<hbm>> -> memref<40x1024xf32, #tpu.memory_space<hbm>>
      tpu.enqueue_dma source(%arg11 : memref<40x1024xf32, #tpu.memory_space<vmem>>) target(%dma_start3A_63 : memref<40x1024xf32, #tpu.memory_space<hbm>>) target_semaphore(%run_scoped3A : memref<!tpu.dma_semaphore, #tpu.memory_space<semaphore_mem>>)
      %dma_wait3A_64 = arith.constant 0 : i32
      %dma_wait3A_65 = tpu.memref_slice %arg5[%add3A_47, %dma_wait3A_64] : memref<5120x1024xf32, #tpu.memory_space<hbm>> -> memref<40x1024xf32, #tpu.memory_space<hbm>>
      %dma_wait3A_66 = arith.constant 0 : i32
      %dma_wait3A_67 = tpu.memref_slice %arg5[%add3A_47, %dma_wait3A_66] : memref<5120x1024xf32, #tpu.memory_space<hbm>> -> memref<40x1024xf32, #tpu.memory_space<hbm>>
      tpu.wait_dma2 semaphore(%run_scoped3A : memref<!tpu.dma_semaphore, #tpu.memory_space<semaphore_mem>>) src(%arg11 : memref<40x1024xf32, #tpu.memory_space<vmem>>) dst(%dma_wait3A_67 : memref<40x1024xf32, #tpu.memory_space<hbm>>)
      tpu.yield
    }) : () -> ()
    %add3A_48 = arith.constant 120 : i32
    %add3A_49 = arith.addi %mul3A_13, %add3A_48 : i32
    %dma_start3A_50 = tpu.memref_slice %arg9[%add3A_49] : memref<5136xi32, #tpu.memory_space<vmem>> -> memref<40xi32, #tpu.memory_space<vmem>>
    %dma_start3A_51 = arith.constant 0 : i32
    %dma_start3A_52 = arith.constant 0 : i32
    %dma_start3A_53 = tpu.memref_slice %arg2[%dma_start3A_51, %dma_start3A_52] : memref<4096x1024xf32, #tpu.memory_space<hbm>> -> memref<4096x1024xf32, #tpu.memory_space<hbm>>
    tpu.enqueue_indirect_dma source(%dma_start3A_53 : memref<4096x1024xf32, #tpu.memory_space<hbm>>) target(%arg11 : memref<40x1024xf32, #tpu.memory_space<vmem>>) offsets(%dma_start3A_50 : memref<40xi32, #tpu.memory_space<vmem>>) semaphore(%arg12 : memref<!tpu.dma_semaphore, #tpu.memory_space<semaphore_mem>>)
    %dma_wait3A_54 = tpu.memref_slice %arg9[%add3A_49] : memref<5136xi32, #tpu.memory_space<vmem>> -> memref<40xi32, #tpu.memory_space<vmem>>
    %dma_wait3A_55 = arith.constant 0 : i32
    %dma_wait3A_56 = arith.constant 0 : i32
    %dma_wait3A_57 = tpu.memref_slice %arg2[%dma_wait3A_55, %dma_wait3A_56] : memref<4096x1024xf32, #tpu.memory_space<hbm>> -> memref<4096x1024xf32, #tpu.memory_space<hbm>>
    tpu.wait_indirect_dma semaphore(%arg12 : memref<!tpu.dma_semaphore, #tpu.memory_space<semaphore_mem>>) src(%dma_wait3A_57 : memref<4096x1024xf32, #tpu.memory_space<hbm>>) dst(%arg11 : memref<40x1024xf32, #tpu.memory_space<vmem>>)
    %add3A_58 = arith.constant 120 : i32
    %add3A_59 = arith.addi %mul3A_13, %add3A_58 : i32
    "tpu.region"() ({
      %run_scoped3A = tpu.sem_alloc : memref<!tpu.dma_semaphore, #tpu.memory_space<semaphore_mem>>
      %dma_start3A_60 = arith.constant 0 : i32
      %dma_start3A_61 = tpu.memref_slice %arg5[%add3A_59, %dma_start3A_60] : memref<5120x1024xf32, #tpu.memory_space<hbm>> -> memref<40x1024xf32, #tpu.memory_space<hbm>>
      %dma_start3A_62 = arith.constant 0 : i32
      %dma_start3A_63 = tpu.memref_slice %arg5[%add3A_59, %dma_start3A_62] : memref<5120x1024xf32, #tpu.memory_space<hbm>> -> memref<40x1024xf32, #tpu.memory_space<hbm>>
      tpu.enqueue_dma source(%arg11 : memref<40x1024xf32, #tpu.memory_space<vmem>>) target(%dma_start3A_63 : memref<40x1024xf32, #tpu.memory_space<hbm>>) target_semaphore(%run_scoped3A : memref<!tpu.dma_semaphore, #tpu.memory_space<semaphore_mem>>)
      %dma_wait3A_64 = arith.constant 0 : i32
      %dma_wait3A_65 = tpu.memref_slice %arg5[%add3A_59, %dma_wait3A_64] : memref<5120x1024xf32, #tpu.memory_space<hbm>> -> memref<40x1024xf32, #tpu.memory_space<hbm>>
      %dma_wait3A_66 = arith.constant 0 : i32
      %dma_wait3A_67 = tpu.memref_slice %arg5[%add3A_59, %dma_wait3A_66] : memref<5120x1024xf32, #tpu.memory_space<hbm>> -> memref<40x1024xf32, #tpu.memory_space<hbm>>
      tpu.wait_dma2 semaphore(%run_scoped3A : memref<!tpu.dma_semaphore, #tpu.memory_space<semaphore_mem>>) src(%arg11 : memref<40x1024xf32, #tpu.memory_space<vmem>>) dst(%dma_wait3A_67 : memref<40x1024xf32, #tpu.memory_space<hbm>>)
      tpu.yield
    }) : () -> ()
    return
  }
}

module attributes {stable_mosaic.version = 14 : i64} {
  func.func @_comb_body(%arg0: i32, %arg1: memref<512x1024xf32, #tpu.memory_space<vmem>>, %arg2: memref<2x512x1024xf32, #tpu.memory_space<vmem>>, %arg3: memref<512x1xf32, #tpu.memory_space<vmem>>, %arg4: memref<512x1xf32, #tpu.memory_space<vmem>>, %arg5: memref<512x1024xf32, #tpu.memory_space<vmem>>) attributes {dimension_semantics = [#tpu.dimension_semantics<arbitrary>], iteration_bounds = array<i64: 8>, scalar_prefetch = 0 : i64, scratch_operands = 0 : i64, tpu.core_type = #tpu.core_type<tc>, window_params = [{transform_indices = @transform_0, window_bounds = array<i64: 512, 1024>}, {transform_indices = @transform_1, window_bounds = array<i64: 2, 512, 1024>}, {transform_indices = @transform_2, window_bounds = array<i64: 512, 1>}, {transform_indices = @transform_3, window_bounds = array<i64: 512, 1>}, {transform_indices = @transform_4, window_bounds = array<i64: 512, 1024>}]} {
    %get3A = arith.constant 0 : index
    %get3A_0 = arith.constant 0 : index
    %get3A_1 = arith.constant 0 : index
    %get3A_2 = vector.load %arg2[%get3A, %get3A_0, %get3A_1] : memref<2x512x1024xf32, #tpu.memory_space<vmem>>, vector<1x512x1024xf32>
    %get3A_3 = vector.shape_cast %get3A_2 : vector<1x512x1024xf32> to vector<512x1024xf32>
    %get3A_4 = arith.constant 1 : index
    %get3A_5 = arith.constant 0 : index
    %get3A_6 = arith.constant 0 : index
    %get3A_7 = vector.load %arg2[%get3A_4, %get3A_5, %get3A_6] : memref<2x512x1024xf32, #tpu.memory_space<vmem>>, vector<1x512x1024xf32>
    %get3A_8 = vector.shape_cast %get3A_7 : vector<1x512x1024xf32> to vector<512x1024xf32>
    %get3A_9 = arith.constant 0 : index
    %get3A_10 = arith.constant 0 : index
    %get3A_11 = vector.load %arg3[%get3A_9, %get3A_10] : memref<512x1xf32, #tpu.memory_space<vmem>>, vector<512x1xf32>
    %get3A_12 = arith.constant 0 : index
    %get3A_13 = arith.constant 0 : index
    %get3A_14 = vector.load %arg4[%get3A_12, %get3A_13] : memref<512x1xf32, #tpu.memory_space<vmem>>, vector<512x1xf32>
    %get3A_15 = arith.constant 0 : index
    %get3A_16 = arith.constant 0 : index
    %get3A_17 = vector.load %arg1[%get3A_15, %get3A_16] : memref<512x1024xf32, #tpu.memory_space<vmem>>, vector<512x1024xf32>
    %gt3A = arith.constant 0.000000e+00 : f32
    %gt3A_18 = vector.broadcast %gt3A : f32 to vector<512x1xf32>
    %gt3A_19 = arith.cmpf ogt, %get3A_11, %gt3A_18 : vector<512x1xf32>
    %mul3A = vector.broadcast %get3A_11 : vector<512x1xf32> to vector<512x1024xf32>
    %mul3A_20 = arith.mulf %mul3A, %get3A_3 : vector<512x1024xf32>
    %jit3A = arith.constant 0.000000e+00 : f32
    %broadcast_in_dim3A = vector.shape_cast %gt3A_19 : vector<512x1xi1> to vector<512x1xi1>
    %broadcast_in_dim3A_21 = vector.broadcast %broadcast_in_dim3A : vector<512x1xi1> to vector<512x1024xi1>
    %broadcast_in_dim3A_22 = vector.broadcast %jit3A : f32 to vector<512x1024xf32>
    %select_n3A = arith.select %broadcast_in_dim3A_21, %mul3A_20, %broadcast_in_dim3A_22 : vector<512x1024xi1>, vector<512x1024xf32>
    %add3A = arith.addf %get3A_17, %select_n3A : vector<512x1024xf32>
    %gt3A_23 = arith.constant 0.000000e+00 : f32
    %gt3A_24 = vector.broadcast %gt3A_23 : f32 to vector<512x1xf32>
    %gt3A_25 = arith.cmpf ogt, %get3A_14, %gt3A_24 : vector<512x1xf32>
    %mul3A_26 = vector.broadcast %get3A_14 : vector<512x1xf32> to vector<512x1024xf32>
    %mul3A_27 = arith.mulf %mul3A_26, %get3A_8 : vector<512x1024xf32>
    %jit3A_28 = arith.constant 0.000000e+00 : f32
    %broadcast_in_dim3A_29 = vector.shape_cast %gt3A_25 : vector<512x1xi1> to vector<512x1xi1>
    %broadcast_in_dim3A_30 = vector.broadcast %broadcast_in_dim3A_29 : vector<512x1xi1> to vector<512x1024xi1>
    %broadcast_in_dim3A_31 = vector.broadcast %jit3A_28 : f32 to vector<512x1024xf32>
    %select_n3A_32 = arith.select %broadcast_in_dim3A_30, %mul3A_27, %broadcast_in_dim3A_31 : vector<512x1024xi1>, vector<512x1024xf32>
    %add3A_33 = arith.addf %add3A, %select_n3A_32 : vector<512x1024xf32>
    %swap3A = arith.constant 0 : index
    %swap3A_34 = arith.constant 0 : index
    %swap3A_35 = vector.load %arg5[%swap3A, %swap3A_34] : memref<512x1024xf32, #tpu.memory_space<vmem>>, vector<512x1024xf32>
    tpu.vector_store %arg5[%swap3A, %swap3A_34], %add3A_33 {strides = array<i32>} : memref<512x1024xf32, #tpu.memory_space<vmem>>, vector<512x1024xf32>,
    return
  }
  func.func @transform_0(%arg0: i32) -> (i32, i32) {
    %c0_i32 = arith.constant 0 : i32
    %c0_i32_0 = arith.constant 0 : i32
    return %arg0, %c0_i32 : i32, i32
  }
  func.func @transform_1(%arg0: i32) -> (i32, i32, i32) {
    %c0_i32 = arith.constant 0 : i32
    %c0_i32_0 = arith.constant 0 : i32
    %c0_i32_1 = arith.constant 0 : i32
    return %c0_i32, %arg0, %c0_i32_0 : i32, i32, i32
  }
  func.func @transform_2(%arg0: i32) -> (i32, i32) {
    %c0_i32 = arith.constant 0 : i32
    %c0_i32_0 = arith.constant 0 : i32
    return %arg0, %c0_i32 : i32, i32
  }
  func.func @transform_3(%arg0: i32) -> (i32, i32) {
    %c0_i32 = arith.constant 0 : i32
    %c0_i32_0 = arith.constant 0 : i32
    return %arg0, %c0_i32 : i32, i32
  }
  func.func @transform_4(%arg0: i32) -> (i32, i32) {
    %c0_i32 = arith.constant 0 : i32
    %c0_i32_0 = arith.constant 0 : i32
    return %arg0, %c0_i32 : i32, i32
  }
}

module attributes {stable_mosaic.version = 14 : i64} {
  func.func @_ffn_body(%arg0: i32, %arg1: i32, %arg2: memref<1x320x1024xf32, #tpu.memory_space<vmem>>, %arg3: memref<1x1024x512xf32, #tpu.memory_space<vmem>>, %arg4: memref<1x1024x512xf32, #tpu.memory_space<vmem>>, %arg5: memref<1x512x1024xf32, #tpu.memory_space<vmem>>, %arg6: memref<1x320x1024xf32, #tpu.memory_space<vmem>>, %arg7: memref<320x1024xf32, #tpu.memory_space<vmem>>) attributes {dimension_semantics = [#tpu.dimension_semantics<arbitrary>, #tpu.dimension_semantics<arbitrary>], iteration_bounds = array<i64: 16, 4>, scalar_prefetch = 0 : i64, scratch_operands = 1 : i64, tpu.core_type = #tpu.core_type<tc>, window_params = [{transform_indices = @transform_0, window_bounds = array<i64: 1, 320, 1024>}, {transform_indices = @transform_1, window_bounds = array<i64: 1, 1024, 512>}, {transform_indices = @transform_2, window_bounds = array<i64: 1, 1024, 512>}, {transform_indices = @transform_3, window_bounds = array<i64: 1, 512, 1024>}, {transform_indices = @transform_4, window_bounds = array<i64: 1, 320, 1024>}]} {
    %eq3A = arith.constant 0 : i32
    %eq3A_0 = arith.cmpi eq, %arg1, %eq3A : i32
    %convert_element_type3A = arith.extui %eq3A_0 : i1 to i32
    %cond3A = arith.constant 0 : i32
    %cond3A_1 = arith.cmpi ne, %convert_element_type3A, %cond3A : i32
    scf.if %cond3A_1 {
      %broadcast_in_dim3A = arith.constant 0.000000e+00 : f32
      %broadcast_in_dim3A_47 = vector.broadcast %broadcast_in_dim3A : f32 to vector<320x1024xf32>
      %swap3A_48 = arith.constant 0 : index
      %swap3A_49 = arith.constant 0 : index
      %swap3A_50 = vector.load %arg7[%swap3A_48, %swap3A_49] : memref<320x1024xf32, #tpu.memory_space<vmem>>, vector<320x1024xf32>
      tpu.vector_store %arg7[%swap3A_48, %swap3A_49], %broadcast_in_dim3A_47 {strides = array<i32>} : memref<320x1024xf32, #tpu.memory_space<vmem>>, vector<320x1024xf32>,
    } else {
    }
    %get3A = arith.constant 0 : index
    %get3A_2 = arith.constant 0 : index
    %get3A_3 = arith.constant 0 : index
    %get3A_4 = vector.load %arg2[%get3A, %get3A_2, %get3A_3] : memref<1x320x1024xf32, #tpu.memory_space<vmem>>, vector<1x320x1024xf32>
    %get3A_5 = vector.shape_cast %get3A_4 : vector<1x320x1024xf32> to vector<320x1024xf32>
    %convert_element_type3A_6 = arith.truncf %get3A_5 : vector<320x1024xf32> to vector<320x1024xbf16>
    %get3A_7 = arith.constant 0 : index
    %get3A_8 = arith.constant 0 : index
    %get3A_9 = arith.constant 0 : index
    %get3A_10 = vector.load %arg3[%get3A_7, %get3A_8, %get3A_9] : memref<1x1024x512xf32, #tpu.memory_space<vmem>>, vector<1x1024x512xf32>
    %get3A_11 = vector.shape_cast %get3A_10 : vector<1x1024x512xf32> to vector<1024x512xf32>
    %convert_element_type3A_12 = arith.truncf %get3A_11 : vector<1024x512xf32> to vector<1024x512xbf16>
    %get3A_13 = arith.constant 0 : index
    %get3A_14 = arith.constant 0 : index
    %get3A_15 = arith.constant 0 : index
    %get3A_16 = vector.load %arg4[%get3A_13, %get3A_14, %get3A_15] : memref<1x1024x512xf32, #tpu.memory_space<vmem>>, vector<1x1024x512xf32>
    %get3A_17 = vector.shape_cast %get3A_16 : vector<1x1024x512xf32> to vector<1024x512xf32>
    %convert_element_type3A_18 = arith.truncf %get3A_17 : vector<1024x512xf32> to vector<1024x512xbf16>
    %dot_general3A = arith.constant dense<0.000000e+00> : vector<320x512xf32>
    %dot_general3A_19 = tpu.matmul %convert_element_type3A_6, %convert_element_type3A_12, %dot_general3A {dimension_numbers = #tpu.dot_dimension_numbers<[1], [0], [0], [1], [0, 0, 1, 1], [], []>, transpose_lhs_hint = false} : vector<320x1024xbf16>, vector<1024x512xbf16>, vector<320x512xf32> -> vector<320x512xf32>
    %dot_general3A_20 = arith.constant dense<0.000000e+00> : vector<320x512xf32>
    %dot_general3A_21 = tpu.matmul %convert_element_type3A_6, %convert_element_type3A_18, %dot_general3A_20 {dimension_numbers = #tpu.dot_dimension_numbers<[1], [0], [0], [1], [0, 0, 1, 1], [], []>, transpose_lhs_hint = false} : vector<320x1024xbf16>, vector<1024x512xbf16>, vector<320x512xf32> -> vector<320x512xf32>
    %logistic3A = arith.negf %dot_general3A_19 : vector<320x512xf32>
    %logistic3A_22 = math.exp %logistic3A : vector<320x512xf32>
    %logistic3A_23 = arith.constant 1.000000e+00 : f32
    %logistic3A_24 = vector.broadcast %logistic3A_23 : f32 to vector<320x512xf32>
    %logistic3A_25 = arith.addf %logistic3A_24, %logistic3A_22 : vector<320x512xf32>
    %logistic3A_26 = arith.divf %logistic3A_24, %logistic3A_25 : vector<320x512xf32>
    %mul3A = arith.mulf %dot_general3A_19, %logistic3A_26 : vector<320x512xf32>
    %mul3A_27 = arith.mulf %mul3A, %dot_general3A_21 : vector<320x512xf32>
    %get3A_28 = arith.constant 0 : index
    %get3A_29 = arith.constant 0 : index
    %get3A_30 = vector.load %arg7[%get3A_28, %get3A_29] : memref<320x1024xf32, #tpu.memory_space<vmem>>, vector<320x1024xf32>
    %convert_element_type3A_31 = arith.truncf %mul3A_27 : vector<320x512xf32> to vector<320x512xbf16>
    %get3A_32 = arith.constant 0 : index
    %get3A_33 = arith.constant 0 : index
    %get3A_34 = arith.constant 0 : index
    %get3A_35 = vector.load %arg5[%get3A_32, %get3A_33, %get3A_34] : memref<1x512x1024xf32, #tpu.memory_space<vmem>>, vector<1x512x1024xf32>
    %get3A_36 = vector.shape_cast %get3A_35 : vector<1x512x1024xf32> to vector<512x1024xf32>
    %convert_element_type3A_37 = arith.truncf %get3A_36 : vector<512x1024xf32> to vector<512x1024xbf16>
    %dot_general3A_38 = arith.constant dense<0.000000e+00> : vector<320x1024xf32>
    %dot_general3A_39 = tpu.matmul %convert_element_type3A_31, %convert_element_type3A_37, %dot_general3A_38 {dimension_numbers = #tpu.dot_dimension_numbers<[1], [0], [0], [1], [0, 0, 1, 1], [], []>, transpose_lhs_hint = false} : vector<320x512xbf16>, vector<512x1024xbf16>, vector<320x1024xf32> -> vector<320x1024xf32>
    %add3A = arith.addf %get3A_30, %dot_general3A_39 : vector<320x1024xf32>
    %swap3A = arith.constant 0 : index
    %swap3A_40 = arith.constant 0 : index
    %swap3A_41 = vector.load %arg7[%swap3A, %swap3A_40] : memref<320x1024xf32, #tpu.memory_space<vmem>>, vector<320x1024xf32>
    tpu.vector_store %arg7[%swap3A, %swap3A_40], %add3A {strides = array<i32>} : memref<320x1024xf32, #tpu.memory_space<vmem>>, vector<320x1024xf32>,
    %eq3A_42 = arith.constant 3 : i32
    %eq3A_43 = arith.cmpi eq, %arg1, %eq3A_42 : i32
    %convert_element_type3A_44 = arith.extui %eq3A_43 : i1 to i32
    %cond3A_45 = arith.constant 0 : i32
    %cond3A_46 = arith.cmpi ne, %convert_element_type3A_44, %cond3A_45 : i32
    scf.if %cond3A_46 {
      %get3A_47 = arith.constant 0 : index
      %get3A_48 = arith.constant 0 : index
      %get3A_49 = vector.load %arg7[%get3A_47, %get3A_48] : memref<320x1024xf32, #tpu.memory_space<vmem>>, vector<320x1024xf32>
      %swap3A_50 = arith.constant 0 : index
      %swap3A_51 = arith.constant 0 : index
      %swap3A_52 = arith.constant 0 : index
      %swap3A_53 = vector.load %arg6[%swap3A_50, %swap3A_51, %swap3A_52] : memref<1x320x1024xf32, #tpu.memory_space<vmem>>, vector<1x320x1024xf32>
      %swap3A_54 = vector.shape_cast %swap3A_53 : vector<1x320x1024xf32> to vector<320x1024xf32>
      %swap3A_55 = vector.shape_cast %get3A_49 : vector<320x1024xf32> to vector<1x320x1024xf32>
      tpu.vector_store %arg6[%swap3A_50, %swap3A_51, %swap3A_52], %swap3A_55 {strides = array<i32>} : memref<1x320x1024xf32, #tpu.memory_space<vmem>>, vector<1x320x1024xf32>,
    } else {
    }
    return
  }
  func.func @transform_0(%arg0: i32, %arg1: i32) -> (i32, i32, i32) {
    %c0_i32 = arith.constant 0 : i32
    %c0_i32_0 = arith.constant 0 : i32
    %c0_i32_1 = arith.constant 0 : i32
    return %arg0, %c0_i32, %c0_i32_0 : i32, i32, i32
  }
  func.func @transform_1(%arg0: i32, %arg1: i32) -> (i32, i32, i32) {
    %c0_i32 = arith.constant 0 : i32
    %c0_i32_0 = arith.constant 0 : i32
    return %arg0, %c0_i32, %arg1 : i32, i32, i32
  }
  func.func @transform_2(%arg0: i32, %arg1: i32) -> (i32, i32, i32) {
    %c0_i32 = arith.constant 0 : i32
    %c0_i32_0 = arith.constant 0 : i32
    return %arg0, %c0_i32, %arg1 : i32, i32, i32
  }
  func.func @transform_3(%arg0: i32, %arg1: i32) -> (i32, i32, i32) {
    %c0_i32 = arith.constant 0 : i32
    %c0_i32_0 = arith.constant 0 : i32
    return %arg0, %arg1, %c0_i32 : i32, i32, i32
  }
  func.func @transform_4(%arg0: i32, %arg1: i32) -> (i32, i32, i32) {
    %c0_i32 = arith.constant 0 : i32
    %c0_i32_0 = arith.constant 0 : i32
    %c0_i32_1 = arith.constant 0 : i32
    return %arg0, %c0_i32, %c0_i32_0 : i32, i32, i32
  }
}

module attributes {stable_mosaic.version = 14 : i64} {
  func.func @_router_body(%arg0: i32, %arg1: memref<256x1024xf32, #tpu.memory_space<vmem>>, %arg2: memref<1024x16xf32, #tpu.memory_space<vmem>>, %arg3: memref<1x1024xf32, #tpu.memory_space<vmem>>, %arg4: memref<1x1024xf32, #tpu.memory_space<vmem>>, %arg5: memref<256x1024xf32, #tpu.memory_space<vmem>>, %arg6: memref<256x1xi32, #tpu.memory_space<vmem>>, %arg7: memref<256x1xi32, #tpu.memory_space<vmem>>, %arg8: memref<256x1xf32, #tpu.memory_space<vmem>>, %arg9: memref<256x1xf32, #tpu.memory_space<vmem>>, %arg10: memref<1x16xf32, #tpu.memory_space<vmem>>) attributes {dimension_semantics = [#tpu.dimension_semantics<arbitrary>], iteration_bounds = array<i64: 16>, scalar_prefetch = 0 : i64, scratch_operands = 1 : i64, tpu.core_type = #tpu.core_type<tc>, window_params = [{transform_indices = @transform_0, window_bounds = array<i64: 256, 1024>}, {pipeline_mode = #tpu.pipeline_mode<synchronous>, transform_indices = @transform_1, window_bounds = array<i64: 1024, 16>}, {pipeline_mode = #tpu.pipeline_mode<synchronous>, transform_indices = @transform_2, window_bounds = array<i64: 1, 1024>}, {pipeline_mode = #tpu.pipeline_mode<synchronous>, transform_indices = @transform_3, window_bounds = array<i64: 1, 1024>}, {transform_indices = @transform_4, window_bounds = array<i64: 256, 1024>}, {transform_indices = @transform_5, window_bounds = array<i64: 256, 1>}, {transform_indices = @transform_6, window_bounds = array<i64: 256, 1>}, {transform_indices = @transform_7, window_bounds = array<i64: 256, 1>}, {transform_indices = @transform_8, window_bounds = array<i64: 256, 1>}]} {
    %eq3A = arith.constant 0 : i32
    %eq3A_0 = arith.cmpi eq, %arg0, %eq3A : i32
    %convert_element_type3A = arith.extui %eq3A_0 : i1 to i32
    %cond3A = arith.constant 0 : i32
    %cond3A_1 = arith.cmpi ne, %convert_element_type3A, %cond3A : i32
    scf.if %cond3A_1 {
      %broadcast_in_dim3A_149 = arith.constant 0.000000e+00 : f32
      %broadcast_in_dim3A_150 = vector.broadcast %broadcast_in_dim3A_149 : f32 to vector<1x16xf32>
      %swap3A_151 = arith.constant 0 : index
      %swap3A_152 = arith.constant 0 : index
      %swap3A_153 = vector.load %arg10[%swap3A_151, %swap3A_152] : memref<1x16xf32, #tpu.memory_space<vmem>>, vector<1x16xf32>
      tpu.vector_store %arg10[%swap3A_151, %swap3A_152], %broadcast_in_dim3A_150 {strides = array<i32>} : memref<1x16xf32, #tpu.memory_space<vmem>>, vector<1x16xf32>,
    } else {
    }
    %get3A = arith.constant 0 : index
    %get3A_2 = arith.constant 0 : index
    %get3A_3 = vector.load %arg1[%get3A, %get3A_2] : memref<256x1024xf32, #tpu.memory_space<vmem>>, vector<256x1024xf32>
    %reduce_sum3A = arith.constant dense<0.000000e+00> : vector<256xf32>
    %reduce_sum3A_4 = vector.multi_reduction <add>, %get3A_3, %reduce_sum3A [1] : vector<256x1024xf32> to vector<256xf32>
    %broadcast_in_dim3A = vector.shape_cast %reduce_sum3A_4 : vector<256xf32> to vector<256x1xf32>
    %div3A = arith.constant 1.024000e+03 : f32
    %div3A_5 = vector.broadcast %div3A : f32 to vector<256x1xf32>
    %div3A_6 = arith.divf %broadcast_in_dim3A, %div3A_5 : vector<256x1xf32>
    %sub3A = vector.broadcast %div3A_6 : vector<256x1xf32> to vector<256x1024xf32>
    %sub3A_7 = arith.subf %get3A_3, %sub3A : vector<256x1024xf32>
    %mul3A = arith.mulf %sub3A_7, %sub3A_7 : vector<256x1024xf32>
    %reduce_sum3A_8 = arith.constant dense<0.000000e+00> : vector<256xf32>
    %reduce_sum3A_9 = vector.multi_reduction <add>, %mul3A, %reduce_sum3A_8 [1] : vector<256x1024xf32> to vector<256xf32>
    %broadcast_in_dim3A_10 = vector.shape_cast %reduce_sum3A_9 : vector<256xf32> to vector<256x1xf32>
    %div3A_11 = arith.constant 1.024000e+03 : f32
    %div3A_12 = vector.broadcast %div3A_11 : f32 to vector<256x1xf32>
    %div3A_13 = arith.divf %broadcast_in_dim3A_10, %div3A_12 : vector<256x1xf32>
    %add3A = arith.constant 9.99999974E-6 : f32
    %add3A_14 = vector.broadcast %add3A : f32 to vector<256x1xf32>
    %add3A_15 = arith.addf %div3A_13, %add3A_14 : vector<256x1xf32>
    %rsqrt3A = math.rsqrt %add3A_15 : vector<256x1xf32>
    %mul3A_16 = vector.broadcast %rsqrt3A : vector<256x1xf32> to vector<256x1024xf32>
    %mul3A_17 = arith.mulf %sub3A_7, %mul3A_16 : vector<256x1024xf32>
    %get3A_18 = arith.constant 0 : index
    %get3A_19 = arith.constant 0 : index
    %get3A_20 = vector.load %arg3[%get3A_18, %get3A_19] : memref<1x1024xf32, #tpu.memory_space<vmem>>, vector<1x1024xf32>
    %mul3A_21 = vector.broadcast %get3A_20 : vector<1x1024xf32> to vector<256x1024xf32>
    %mul3A_22 = arith.mulf %mul3A_17, %mul3A_21 : vector<256x1024xf32>
    %get3A_23 = arith.constant 0 : index
    %get3A_24 = arith.constant 0 : index
    %get3A_25 = vector.load %arg4[%get3A_23, %get3A_24] : memref<1x1024xf32, #tpu.memory_space<vmem>>, vector<1x1024xf32>
    %add3A_26 = vector.broadcast %get3A_25 : vector<1x1024xf32> to vector<256x1024xf32>
    %add3A_27 = arith.addf %mul3A_22, %add3A_26 : vector<256x1024xf32>
    %swap3A = arith.constant 0 : index
    %swap3A_28 = arith.constant 0 : index
    %swap3A_29 = vector.load %arg5[%swap3A, %swap3A_28] : memref<256x1024xf32, #tpu.memory_space<vmem>>, vector<256x1024xf32>
    tpu.vector_store %arg5[%swap3A, %swap3A_28], %add3A_27 {strides = array<i32>} : memref<256x1024xf32, #tpu.memory_space<vmem>>, vector<256x1024xf32>,
    %get3A_30 = arith.constant 0 : index
    %get3A_31 = arith.constant 0 : index
    %get3A_32 = vector.load %arg2[%get3A_30, %get3A_31] : memref<1024x16xf32, #tpu.memory_space<vmem>>, vector<1024x16xf32>
    %dot_general3A = arith.constant dense<0.000000e+00> : vector<256x16xf32>
    %dot_general3A_33 = tpu.matmul %add3A_27, %get3A_32, %dot_general3A {dimension_numbers = #tpu.dot_dimension_numbers<[1], [0], [0], [1], [0, 0, 1, 1], [], []>, transpose_lhs_hint = false} : vector<256x1024xf32>, vector<1024x16xf32>, vector<256x16xf32> -> vector<256x16xf32>
    %reduce_max3A = arith.constant dense<0xFF800000> : vector<256xf32>
    %reduce_max3A_34 = vector.multi_reduction <maximumf>, %dot_general3A_33, %reduce_max3A [1] : vector<256x16xf32> to vector<256xf32>
    %broadcast_in_dim3A_35 = vector.shape_cast %reduce_max3A_34 : vector<256xf32> to vector<256x1xf32>
    %sub3A_36 = vector.broadcast %broadcast_in_dim3A_35 : vector<256x1xf32> to vector<256x16xf32>
    %sub3A_37 = arith.subf %dot_general3A_33, %sub3A_36 : vector<256x16xf32>
    %exp3A = math.exp %sub3A_37 : vector<256x16xf32>
    %reduce_sum3A_38 = arith.constant dense<0.000000e+00> : vector<256xf32>
    %reduce_sum3A_39 = vector.multi_reduction <add>, %exp3A, %reduce_sum3A_38 [1] : vector<256x16xf32> to vector<256xf32>
    %broadcast_in_dim3A_40 = vector.shape_cast %reduce_sum3A_39 : vector<256xf32> to vector<256x1xf32>
    %div3A_41 = vector.broadcast %broadcast_in_dim3A_40 : vector<256x1xf32> to vector<256x16xf32>
    %div3A_42 = arith.divf %exp3A, %div3A_41 : vector<256x16xf32>
    %iota3A = tpu.iota {dimensions = array<i32: 1>} : vector<256x16xi32>
    %reduce_max3A_43 = arith.constant dense<0xFF800000> : vector<256xf32>
    %reduce_max3A_44 = vector.multi_reduction <maximumf>, %div3A_42, %reduce_max3A_43 [1] : vector<256x16xf32> to vector<256xf32>
    %broadcast_in_dim3A_45 = vector.shape_cast %reduce_max3A_44 : vector<256xf32> to vector<256x1xf32>
    %eq3A_46 = vector.broadcast %broadcast_in_dim3A_45 : vector<256x1xf32> to vector<256x16xf32>
    %eq3A_47 = arith.cmpf oeq, %div3A_42, %eq3A_46 : vector<256x16xf32>
    %jit3A = arith.constant 16 : i32
    %broadcast_in_dim3A_48 = vector.broadcast %jit3A : i32 to vector<256x16xi32>
    %select_n3A = arith.select %eq3A_47, %iota3A, %broadcast_in_dim3A_48 : vector<256x16xi1>, vector<256x16xi32>
    %reduce_min3A = arith.constant dense<2147483647> : vector<256xi32>
    %reduce_min3A_49 = vector.multi_reduction <minsi>, %select_n3A, %reduce_min3A [1] : vector<256x16xi32> to vector<256xi32>
    %broadcast_in_dim3A_50 = vector.shape_cast %reduce_min3A_49 : vector<256xi32> to vector<256x1xi32>
    %eq3A_51 = vector.broadcast %broadcast_in_dim3A_50 : vector<256x1xi32> to vector<256x16xi32>
    %eq3A_52 = arith.cmpi eq, %iota3A, %eq3A_51 : vector<256x16xi32>
    %jit3A_53 = arith.constant -1.000000e+00 : f32
    %broadcast_in_dim3A_54 = vector.broadcast %jit3A_53 : f32 to vector<256x16xf32>
    %select_n3A_55 = arith.select %eq3A_52, %broadcast_in_dim3A_54, %div3A_42 : vector<256x16xi1>, vector<256x16xf32>
    %reduce_max3A_56 = arith.constant dense<0xFF800000> : vector<256xf32>
    %reduce_max3A_57 = vector.multi_reduction <maximumf>, %select_n3A_55, %reduce_max3A_56 [1] : vector<256x16xf32> to vector<256xf32>
    %broadcast_in_dim3A_58 = vector.shape_cast %reduce_max3A_57 : vector<256xf32> to vector<256x1xf32>
    %eq3A_59 = vector.broadcast %broadcast_in_dim3A_58 : vector<256x1xf32> to vector<256x16xf32>
    %eq3A_60 = arith.cmpf oeq, %select_n3A_55, %eq3A_59 : vector<256x16xf32>
    %jit3A_61 = arith.constant 16 : i32
    %broadcast_in_dim3A_62 = vector.broadcast %jit3A_61 : i32 to vector<256x16xi32>
    %select_n3A_63 = arith.select %eq3A_60, %iota3A, %broadcast_in_dim3A_62 : vector<256x16xi1>, vector<256x16xi32>
    %reduce_min3A_64 = arith.constant dense<2147483647> : vector<256xi32>
    %reduce_min3A_65 = vector.multi_reduction <minsi>, %select_n3A_63, %reduce_min3A_64 [1] : vector<256x16xi32> to vector<256xi32>
    %broadcast_in_dim3A_66 = vector.shape_cast %reduce_min3A_65 : vector<256xi32> to vector<256x1xi32>
    %add3A_67 = arith.addf %broadcast_in_dim3A_45, %broadcast_in_dim3A_58 : vector<256x1xf32>
    %div3A_68 = arith.divf %broadcast_in_dim3A_45, %add3A_67 : vector<256x1xf32>
    %div3A_69 = arith.divf %broadcast_in_dim3A_58, %add3A_67 : vector<256x1xf32>
    %eq3A_70 = vector.broadcast %broadcast_in_dim3A_50 : vector<256x1xi32> to vector<256x16xi32>
    %eq3A_71 = arith.cmpi eq, %iota3A, %eq3A_70 : vector<256x16xi32>
    %eq3A_72 = vector.broadcast %broadcast_in_dim3A_66 : vector<256x1xi32> to vector<256x16xi32>
    %eq3A_73 = arith.cmpi eq, %iota3A, %eq3A_72 : vector<256x16xi32>
    %or3A = arith.ori %eq3A_71, %eq3A_73 : vector<256x16xi1>
    %convert_element_type3A_74 = arith.extui %or3A : vector<256x16xi1> to vector<256x16xi32>
    %convert_element_type3A_75 = arith.sitofp %convert_element_type3A_74 : vector<256x16xi32> to vector<256x16xf32>
    %iota3A_76 = tpu.iota {dimensions = array<i32: 0>} : vector<256x256xi32>
    %iota3A_77 = tpu.iota {dimensions = array<i32: 1>} : vector<256x256xi32>
    %ge3A = arith.cmpi sge, %iota3A_76, %iota3A_77 : vector<256x256xi32>
    %convert_element_type3A_78 = arith.extui %ge3A : vector<256x256xi1> to vector<256x256xi32>
    %convert_element_type3A_79 = arith.sitofp %convert_element_type3A_78 : vector<256x256xi32> to vector<256x256xf32>
    %dot_general3A_80 = arith.constant dense<0.000000e+00> : vector<256x16xf32>
    %dot_general3A_81 = tpu.matmul %convert_element_type3A_79, %convert_element_type3A_75, %dot_general3A_80 {dimension_numbers = #tpu.dot_dimension_numbers<[1], [0], [0], [1], [0, 0, 1, 1], [], []>, precision = #tpu.contract_precision<fp32>, transpose_lhs_hint = false} : vector<256x256xf32>, vector<256x16xf32>, vector<256x16xf32> -> vector<256x16xf32>
    %get3A_82 = arith.constant 0 : index
    %get3A_83 = arith.constant 0 : index
    %get3A_84 = vector.load %arg10[%get3A_82, %get3A_83] : memref<1x16xf32, #tpu.memory_space<vmem>>, vector<1x16xf32>
    %add3A_85 = vector.broadcast %get3A_84 : vector<1x16xf32> to vector<256x16xf32>
    %add3A_86 = arith.addf %add3A_85, %dot_general3A_81 : vector<256x16xf32>
    %sub3A_87 = arith.constant 1.000000e+00 : f32
    %sub3A_88 = vector.broadcast %sub3A_87 : f32 to vector<256x16xf32>
    %sub3A_89 = arith.subf %add3A_86, %sub3A_88 : vector<256x16xf32>
    %slice3A = vector.extract_strided_slice %dot_general3A_81 {offsets = [255, 0], sizes = [1, 16], strides = [1, 1]} : vector<256x16xf32> to vector<1x16xf32>
    %add3A_90 = arith.addf %get3A_84, %slice3A : vector<1x16xf32>
    %swap3A_91 = arith.constant 0 : index
    %swap3A_92 = arith.constant 0 : index
    %swap3A_93 = vector.load %arg10[%swap3A_91, %swap3A_92] : memref<1x16xf32, #tpu.memory_space<vmem>>, vector<1x16xf32>
    tpu.vector_store %arg10[%swap3A_91, %swap3A_92], %add3A_90 {strides = array<i32>} : memref<1x16xf32, #tpu.memory_space<vmem>>, vector<1x16xf32>,
    %eq3A_94 = vector.broadcast %broadcast_in_dim3A_50 : vector<256x1xi32> to vector<256x16xi32>
    %eq3A_95 = arith.cmpi eq, %iota3A, %eq3A_94 : vector<256x16xi32>
    %jit3A_96 = arith.constant 0.000000e+00 : f32
    %broadcast_in_dim3A_97 = vector.broadcast %jit3A_96 : f32 to vector<256x16xf32>
    %select_n3A_98 = arith.select %eq3A_95, %sub3A_89, %broadcast_in_dim3A_97 : vector<256x16xi1>, vector<256x16xf32>
    %reduce_sum3A_99 = arith.constant dense<0.000000e+00> : vector<256xf32>
    %reduce_sum3A_100 = vector.multi_reduction <add>, %select_n3A_98, %reduce_sum3A_99 [1] : vector<256x16xf32> to vector<256xf32>
    %broadcast_in_dim3A_101 = vector.shape_cast %reduce_sum3A_100 : vector<256xf32> to vector<256x1xf32>
    %eq3A_102 = vector.broadcast %broadcast_in_dim3A_66 : vector<256x1xi32> to vector<256x16xi32>
    %eq3A_103 = arith.cmpi eq, %iota3A, %eq3A_102 : vector<256x16xi32>
    %jit3A_104 = arith.constant 0.000000e+00 : f32
    %broadcast_in_dim3A_105 = vector.broadcast %jit3A_104 : f32 to vector<256x16xf32>
    %select_n3A_106 = arith.select %eq3A_103, %sub3A_89, %broadcast_in_dim3A_105 : vector<256x16xi1>, vector<256x16xf32>
    %reduce_sum3A_107 = arith.constant dense<0.000000e+00> : vector<256xf32>
    %reduce_sum3A_108 = vector.multi_reduction <add>, %select_n3A_106, %reduce_sum3A_107 [1] : vector<256x16xf32> to vector<256xf32>
    %broadcast_in_dim3A_109 = vector.shape_cast %reduce_sum3A_108 : vector<256xf32> to vector<256x1xf32>
    %lt3A = arith.constant 3.200000e+02 : f32
    %lt3A_110 = vector.broadcast %lt3A : f32 to vector<256x1xf32>
    %lt3A_111 = arith.cmpf olt, %broadcast_in_dim3A_101, %lt3A_110 : vector<256x1xf32>
    %lt3A_112 = arith.constant 3.200000e+02 : f32
    %lt3A_113 = vector.broadcast %lt3A_112 : f32 to vector<256x1xf32>
    %lt3A_114 = arith.cmpf olt, %broadcast_in_dim3A_109, %lt3A_113 : vector<256x1xf32>
    %mul3A_115 = arith.constant 320 : i32
    %mul3A_116 = vector.broadcast %mul3A_115 : i32 to vector<256x1xi32>
    %mul3A_117 = arith.muli %broadcast_in_dim3A_50, %mul3A_116 : vector<256x1xi32>
    %convert_element_type3A_118 = arith.fptosi %broadcast_in_dim3A_101 : vector<256x1xf32> to vector<256x1xi32>
    %add3A_119 = arith.addi %mul3A_117, %convert_element_type3A_118 : vector<256x1xi32>
    %jit3A_120 = arith.constant 5120 : i32
    %broadcast_in_dim3A_121 = vector.broadcast %jit3A_120 : i32 to vector<256x1xi32>
    %select_n3A_122 = arith.select %lt3A_111, %add3A_119, %broadcast_in_dim3A_121 : vector<256x1xi1>, vector<256x1xi32>
    %swap3A_123 = arith.constant 0 : index
    %swap3A_124 = arith.constant 0 : index
    %swap3A_125 = vector.load %arg6[%swap3A_123, %swap3A_124] : memref<256x1xi32, #tpu.memory_space<vmem>>, vector<256x1xi32>
    tpu.vector_store %arg6[%swap3A_123, %swap3A_124], %select_n3A_122 {strides = array<i32>} : memref<256x1xi32, #tpu.memory_space<vmem>>, vector<256x1xi32>,
    %mul3A_126 = arith.constant 320 : i32
    %mul3A_127 = vector.broadcast %mul3A_126 : i32 to vector<256x1xi32>
    %mul3A_128 = arith.muli %broadcast_in_dim3A_66, %mul3A_127 : vector<256x1xi32>
    %convert_element_type3A_129 = arith.fptosi %broadcast_in_dim3A_109 : vector<256x1xf32> to vector<256x1xi32>
    %add3A_130 = arith.addi %mul3A_128, %convert_element_type3A_129 : vector<256x1xi32>
    %jit3A_131 = arith.constant 5120 : i32
    %broadcast_in_dim3A_132 = vector.broadcast %jit3A_131 : i32 to vector<256x1xi32>
    %select_n3A_133 = arith.select %lt3A_114, %add3A_130, %broadcast_in_dim3A_132 : vector<256x1xi1>, vector<256x1xi32>
    %swap3A_134 = arith.constant 0 : index
    %swap3A_135 = arith.constant 0 : index
    %swap3A_136 = vector.load %arg7[%swap3A_134, %swap3A_135] : memref<256x1xi32, #tpu.memory_space<vmem>>, vector<256x1xi32>
    tpu.vector_store %arg7[%swap3A_134, %swap3A_135], %select_n3A_133 {strides = array<i32>} : memref<256x1xi32, #tpu.memory_space<vmem>>, vector<256x1xi32>,
    %jit3A_137 = arith.constant 0.000000e+00 : f32
    %broadcast_in_dim3A_138 = vector.broadcast %jit3A_137 : f32 to vector<256x1xf32>
    %select_n3A_139 = arith.select %lt3A_111, %div3A_68, %broadcast_in_dim3A_138 : vector<256x1xi1>, vector<256x1xf32>
    %swap3A_140 = arith.constant 0 : index
    %swap3A_141 = arith.constant 0 : index
    %swap3A_142 = vector.load %arg8[%swap3A_140, %swap3A_141] : memref<256x1xf32, #tpu.memory_space<vmem>>, vector<256x1xf32>
    tpu.vector_store %arg8[%swap3A_140, %swap3A_141], %select_n3A_139 {strides = array<i32>} : memref<256x1xf32, #tpu.memory_space<vmem>>, vector<256x1xf32>,
    %jit3A_143 = arith.constant 0.000000e+00 : f32
    %broadcast_in_dim3A_144 = vector.broadcast %jit3A_143 : f32 to vector<256x1xf32>
    %select_n3A_145 = arith.select %lt3A_114, %div3A_69, %broadcast_in_dim3A_144 : vector<256x1xi1>, vector<256x1xf32>
    %swap3A_146 = arith.constant 0 : index
    %swap3A_147 = arith.constant 0 : index
    %swap3A_148 = vector.load %arg9[%swap3A_146, %swap3A_147] : memref<256x1xf32, #tpu.memory_space<vmem>>, vector<256x1xf32>
    tpu.vector_store %arg9[%swap3A_146, %swap3A_147], %select_n3A_145 {strides = array<i32>} : memref<256x1xf32, #tpu.memory_space<vmem>>, vector<256x1xf32>,
    return
  }
  func.func @transform_0(%arg0: i32) -> (i32, i32) {
    %c0_i32 = arith.constant 0 : i32
    %c0_i32_0 = arith.constant 0 : i32
    return %arg0, %c0_i32 : i32, i32
  }
  func.func @transform_1(%arg0: i32) -> (i32, i32) {
    %c0_i32 = arith.constant 0 : i32
    %c0_i32_0 = arith.constant 0 : i32
    %c0_i32_1 = arith.constant 0 : i32
    return %c0_i32, %c0_i32_0 : i32, i32
  }
  func.func @transform_2(%arg0: i32) -> (i32, i32) {
    %c0_i32 = arith.constant 0 : i32
    %c0_i32_0 = arith.constant 0 : i32
    %c0_i32_1 = arith.constant 0 : i32
    return %c0_i32, %c0_i32_0 : i32, i32
  }
  func.func @transform_3(%arg0: i32) -> (i32, i32) {
    %c0_i32 = arith.constant 0 : i32
    %c0_i32_0 = arith.constant 0 : i32
    %c0_i32_1 = arith.constant 0 : i32
    return %c0_i32, %c0_i32_0 : i32, i32
  }
  func.func @transform_4(%arg0: i32) -> (i32, i32) {
    %c0_i32 = arith.constant 0 : i32
    %c0_i32_0 = arith.constant 0 : i32
    return %arg0, %c0_i32 : i32, i32
  }
  func.func @transform_5(%arg0: i32) -> (i32, i32) {
    %c0_i32 = arith.constant 0 : i32
    %c0_i32_0 = arith.constant 0 : i32
    return %arg0, %c0_i32 : i32, i32
  }
  func.func @transform_6(%arg0: i32) -> (i32, i32) {
    %c0_i32 = arith.constant 0 : i32
    %c0_i32_0 = arith.constant 0 : i32
    return %arg0, %c0_i32 : i32, i32
  }
  func.func @transform_7(%arg0: i32) -> (i32, i32) {
    %c0_i32 = arith.constant 0 : i32
    %c0_i32_0 = arith.constant 0 : i32
    return %arg0, %c0_i32 : i32, i32
  }
  func.func @transform_8(%arg0: i32) -> (i32, i32) {
    %c0_i32 = arith.constant 0 : i32
    %c0_i32_0 = arith.constant 0 : i32
    return %arg0, %c0_i32 : i32, i32
  }
}

</mosaic_0001>

<sc_bundles>
// kernel: kernel.10.cloned.1.call-start
scs
__scs_entry_jumppad:
0x0: {  	(pc) =	sbr.rel $0x88, $3  }
0x1: {  	(tag) =	ssettag $0x0;
	lr =	simm.s32 $0x1  }
0x2: {  	[smem:$0x3F9A] =	sst lr;
	_ =	strace $0xD0000000  }
0x3: {  	_ = 	snop  }
0x4: {  	_ = 	snop  }
0x5: {  	_ = 	snop  }
0x6: {  	_ = 	snop  }
0x7: {  	_ = 	snop  }
__scs_overlays_trampoline_lowered:
0x8: {  	[smem:$0x3FA9] =	sst s0  }
0x9: {  	[smem:$0x3FAA] =	sst s1  }
0xa: {  	[smem:$0x3FAB] =	sst s2  }
0xb: {  	[smem:$0x3FAC] =	sst s3  }
0xc: {  	[smem:$0x3FAD] =	sst s4  }
0xd: {  	[smem:$0x3FAE] =	sst s5  }
0xe: {  	[smem:$0x3FAF] =	sst s6  }
0xf: {  	[smem:$0x3FB0] =	sst s7  }
0x10: {  	[smem:$0x3FB1] =	sst s8  }
0x11: {  	[smem:$0x3FB2] =	sst s9;
	s0 =	simm.s32 @!p0 $0x0  }
0x12: {  	s1 =	sld [smem:$0x3F98];
	s0 =	simm.s32 @p0 $0x1  }
0x13: {  	[smem:$0x3FB3] =	sst s0;
	s0 =	simm.s32 @!p1 $0x0  }
0x14: {  	s2 =	sld [smem:$0x3F97];
	s0 =	simm.s32 @p1 $0x1  }
0x15: {  	[smem:$0x3FB4] =	sst s0;
	s0 =	simm.s32 @!p2 $0x0  }
0x16: {  	s3 =	sld [smem:$0x3FDB];
	s0 =	simm.s32 @p2 $0x1  }
0x17: {  	s4 =	simm.s32 $0x1BF5;
	[smem:$0x3FB6] =	sst s0  }
0x18: {  	s0 =	sld [smem:$0x3F99];
	_ =	swait.ge [sflag:s4], $0x0  }
0x19: {  	s7 =	sld [smem:$0x3F9A]  }
0x1a: {  	s8 =	sadd.s32 $0xFFFFE003, lr  }
0x1b: {  	s9 =	sadd.s32 $0xFFFFFEF7, lr;
	s5 =	simm.s32 $0xFFFFFFFF;
	p2 =	slt.u32 s8, $0xFFFFF086  }
0x1c: {  	p1 =	slt.u32 s9, $0xF7A;
	s5 =	simm.s32 @!p2 $0x0  }
0x1d: {  	s5 =	simm.s32 @p1 $0x1;
	p0 =	seq.s32 s7, s2  }
0x1e: {  	s7 =	smul.u32 @!p0 $0xF7A, s2;
	p2 =	seq.s32 @!p0 s5, $0x0  }
0x1f: {  	s9 =	smul.u32 $0xF7A, s1;
	s8 =	simm.s32 @!p0 $0x1BF5;
	p2 =	por !p2, p0  }
0x20: {  	[sflag:s8] =	ssyncset.s32 @!p0 $0xFFFFF086;
	s6 =	sadd.s32 @!p0 s3, s7;
	s7 =	simm.s32 @!p0 $0x108  }
0x21: {  	s3 =	sadd.s32 s3, s9;
	s6 =	sadd.s32 @!p0 $0x88, s6;
	s7 =	simm.s32 @p2 $0x1082  }
0x22: {  	[simem:s7], [sflag:s8] =	dma.local @!p0 [hbm:s6], $0xF7A  }
0x23: {  	s9 =	sor.u32 $0xD0000000, s2;
	s6 =	simm.s32 $0x108;
	_ =	swait.ge @!p0 [sflag:s8], $0x0  }
0x24: {  	s3 =	sadd.s32 $0x88, s3;
	s6 =	simm.s32 @!p1 $0x1082;
	[sflag:s4] =	ssyncset.s32 $0xFFFFF086  }
0x25: {  	[simem:s6], [sflag:s4] =	dma.local [hbm:s3], $0xF7A  }
0x26: {  	[smem:$0x3F9A] =	sst s1;
	(tag) =	ssettag s2;
	_ =	strace s9  }
0x27: {  	s1 =	sld [smem:$0x3FAA]  }
0x28: {  	s2 =	sld [smem:$0x3FAB]  }
0x29: {  	s4 =	sld [smem:$0x3FAD]  }
0x2a: {  	p0 =	seq.s32 s5, $0x0;
	s5 =	sld [smem:$0x3FAE]  }
0x2b: {  	s6 =	sld [smem:$0x3FAF]  }
0x2c: {  	s7 =	sld [smem:$0x3FB0]  }
0x2d: {  	s3 =	simm.s32 $0x108;
	s8 =	sld [smem:$0x3FB1]  }
0x2e: {  	s3 =	simm.s32 @!p0 $0x1082;
	s9 =	sld [smem:$0x3FB2]  }
0x2f: {  	lr =	sadd.s32 s0, s3;
	s0 =	sld [smem:$0x3FA9]  }
0x30: {  	s3 =	sld [smem:$0x3FAC]  }
0x31: {  	[smem:$0x3FB5] =	sst s10  }
0x32: {  	s10 =	sld [smem:$0x3FB3];
	_ =	sdelay $0x3  }
0x33: {  	p0 =	seq.s32 s10, $0x1;
	s10 =	sld [smem:$0x3FB5];
	_ =	sdelay $0x3  }
0x34: {  	[smem:$0x3FB5] =	sst s10  }
0x35: {  	s10 =	sld [smem:$0x3FB4];
	_ =	sdelay $0x3  }
0x36: {  	p1 =	seq.s32 s10, $0x1;
	s10 =	sld [smem:$0x3FB5];
	_ =	sdelay $0x3  }
0x37: {  	[smem:$0x3FB5] =	sst s10  }
0x38: {  	s10 =	sld [smem:$0x3FB6]  }
0x39: {  	_ = 	snop;
	(pc) =	sbr.ind lr, $3  }
0x3a: {  	_ = 	snop  }
0x3b: {  	_ = 	snop  }
0x3c: {  	p2 =	seq.s32 s10, $0x1;
	s10 =	sld [smem:$0x3FB5]  }
0x3d: {  	_ =	shalt  }
0x3e: {  	_ =	shalt  }
0x3f: {  	_ =	shalt  }
0x40: {  	_ =	shalt  }
0x41: {  	_ =	shalt  }
0x42: {  	_ =	shalt  }
0x43: {  	_ =	shalt  }
0x44: {  	_ =	shalt  }
0x45: {  	_ =	shalt  }
0x46: {  	_ =	shalt  }
0x47: {  	_ =	shalt  }
0x48: {  	_ =	shalt  }
0x49: {  	_ =	shalt  }
0x4a: {  	_ =	shalt  }
0x4b: {  	_ =	shalt  }
0x4c: {  	_ =	shalt  }
0x4d: {  	_ =	shalt  }
0x4e: {  	_ =	shalt  }
0x4f: {  	_ =	shalt  }
0x50: {  	_ =	shalt  }
0x51: {  	_ =	shalt  }
0x52: {  	_ =	shalt  }
0x53: {  	_ =	shalt  }
0x54: {  	_ =	shalt  }
0x55: {  	_ =	shalt  }
0x56: {  	_ =	shalt  }
0x57: {  	_ =	shalt  }
0x58: {  	_ =	shalt  }
0x59: {  	_ =	shalt  }
0x5a: {  	_ =	shalt  }
0x5b: {  	_ =	shalt  }
0x5c: {  	_ =	shalt  }
0x5d: {  	_ =	shalt  }
0x5e: {  	_ =	shalt  }
0x5f: {  	_ =	shalt  }
0x60: {  	_ =	shalt  }
0x61: {  	_ =	shalt  }
0x62: {  	_ =	shalt  }
0x63: {  	_ =	shalt  }
0x64: {  	_ =	shalt  }
0x65: {  	_ =	shalt  }
0x66: {  	_ =	shalt  }
0x67: {  	_ =	shalt  }
0x68: {  	_ =	shalt  }
0x69: {  	_ =	shalt  }
0x6a: {  	_ =	shalt  }
0x6b: {  	_ =	shalt  }
0x6c: {  	_ =	shalt  }
0x6d: {  	_ =	shalt  }
0x6e: {  	_ =	shalt  }
0x6f: {  	_ =	shalt  }
0x70: {  	_ =	shalt  }
0x71: {  	_ =	shalt  }
0x72: {  	_ =	shalt  }
0x73: {  	_ =	shalt  }
0x74: {  	_ =	shalt  }
0x75: {  	_ =	shalt  }
0x76: {  	_ =	shalt  }
0x77: {  	_ =	shalt  }
0x78: {  	_ =	shalt  }
0x79: {  	_ =	shalt  }
0x7a: {  	_ =	shalt  }
0x7b: {  	_ =	shalt  }
0x7c: {  	_ =	shalt  }
0x7d: {  	_ =	shalt  }
0x7e: {  	_ =	shalt  }
0x7f: {  	_ =	shalt  }
0x80: {  	_ =	shalt  }
0x81: {  	_ =	shalt  }
0x82: {  	_ =	shalt  }
0x83: {  	_ =	shalt  }
0x84: {  	_ =	shalt  }
0x85: {  	_ =	shalt  }
0x86: {  	_ =	shalt  }
0x87: {  	_ =	shalt  }
.Lfunc_end0:
.L_simem_size_0:
called_computation.1_lowered:
.L_overlay_start_0:
0x88: {  	s2 =	sld [smem:$0x3FD9]  }
0x89: {  	s3 =	sld [smem:$0x3FFE];
	_ =	sdelay $0x1  }
0x8a: {  	s1 =	srdreg.scid  }
0x8b: {  	s0 =	sand.u32 $0x1, s1  }
0x8c: {  	s16 =	sshll.u32 s0, $0xA;
	s2 =	sadd.s32 s3, s2  }
0x8d: {  	s2 =	sadd.s32 s2, s16  }
0x8e: {  	[smem:$0x3FC1] =	sst s2  }
0x8f: {  	_ = 	snop  }
0x90: {  	(tm) =	ssettm $0x1  }
0x91: {  	s17 =	sld [smem:$0x3FFB];
	_ =	sdelay $0x3  }
0x92: {  	_ =	strace s17  }
0x93: {  	s2 =	sld [smem:$0x3FFC];
	_ =	sdelay $0x3  }
0x94: {  	_ =	strace s2  }
0x95: {  	s2 =	sld [smem:$0x3FFD];
	_ =	sdelay $0x3  }
0x96: {  	_ =	strace s2  }
0x97: {  	_ =	strace $0x8FFFFFFF  }
0x98: {  	s18 =	sld [smem:$0x3FDB];
	_ =	sdelay $0x1  }
0x99: {  	s19 =	simm.s32 $_scs_section_size  }
0x9a: {  	s4 =	simm.s32 $_size__tile_overlayer_lowered;
	s5 =	simm.s32 $_tile_overlayer_lowered  }
0x9b: {  	s22 =	simm.s32 $0x1BFF;
	s21 =	sshll.u32 s5, $0x1;
	s2 =	sadd.s32 s19, s18  }
0x9c: {  	s6 =	simm.s32 $0x0;
	s20 =	sshll.u32 s4, $0x1;
	s4 =	sadd.s32 s21, s2  }
0x9d: {  	[timem:s6], [sflag:s22] =	dma.local [hbm:s4], s20  }
0x9e: {  	_ =	swait.ge [sflag:s22], s20  }
0x9f: {  	s3 =	ssub.s32 $0x0, s20;
	[sflag:s22] =	ssyncset.done $0x0  }
0xa0: {  	[sflag:s22] =	ssyncadd.s32 s3;
	_ =	sdelay $0x1  }
0xa1: {  	s23 =	simm.s32 $0x1B8B  }
0xa2: {  	_ =	swait.ge [sflag:s23], $0x1  }
0xa3: {  	[sflag:s23] =	ssyncset.done $0x0  }
0xa4: {  	s25 =	simm.s32 $0x1B8E;
	s24 =	sld [smem:$0x3FFE];
	[sflag:s23] =	ssyncadd.s32 $0xFFFFFFFF  }
0xa5: {  	s26 =	simm.s32 $execute0_lowered;
	[smem:$0x3FD2] =	sst s25  }
0xa6: {  	s4 =	sshll.u32 s26, $0x1;
	_ =	strace $0x80000049;
	[dreg:$0x1] =	wrdreg $0xFFFFFFFF  }
0xa7: {  	s28 =	simm.s32 $_size_execute0_lowered;
	s2 =	sadd.s32 s2, s4;
	[dreg:$0x0] =	wrdreg $0x0  }
0xa8: {  	s4 =	sshll.u32 s28, $0x1;
	[dreg:$0x2] =	wrdreg s2  }
0xa9: {  	[dreg:$0x3] =	wrdreg s4  }
0xaa: {  	[dreg:$0x4] =	wrdreg $0xC0  }
0xab: {  	_ =	task [dreg:s6], $0x5FFFF  }
0xac: {  	[dreg:$0x1] =	wrdreg $0xFFFFFFFF  }
0xad: {  	[dreg:$0x0] =	wrdreg $0x60  }
0xae: {  	[dreg:$0x2] =	wrdreg s24  }
0xaf: {  	[dreg:$0x3] =	wrdreg $0x9  }
0xb0: {  	_ =	task.clear_ibuf [dreg:s6], $0x4FFFF;
	_ =	strace $0x90000049  }
0xb1: {  	s29 =	simm.s32 $0x9;
	_ =	strace $0x8000004B  }
0xb2: {  	_ =	swait.ge [sflag:s29], $0x1  }
0xb3: {  	[sflag:s29] =	ssyncadd.s32 $0xFFFFFFFF  }
0xb4: {  	_ =	strace $0x9000004B  }
0xb5: {  	_ =	sfence  }
0xb6: {  	s30 =	sld [smem:$0x0];
	_ =	sdelay $0x2  }
0xb7: {  	s31 =	sshll.u32 s1, $0xD;
	s1 =	sshrl.u32 s1, $0x2  }
0xb8: {  	s3 =	sand.u32 $0x4000, s31;
	s1 =	sadd.s32 s1, s30  }
0xb9: {  	s0 =	sor.u32 s3, s0;
	s1 =	sshll.u32 s1, $0x11  }
0xba: {  	s0 =	sor.u32 s1, s0  }
0xbb: {  	s0 =	sadd.s32 $0x8F2B, s0  }
0xbc: {  	[sflag:s0] =	ssyncadd.remote.s32 $0x1  }
0xbd: {  	_ =	sfence.sel $0xFFFF  }
0xbe: {  	[dreg:$0x0] =	wrdreg $0xFFFFFFFF;
	(pc) =	sbr.abs _section_cstart, $3  }
0xbf: {  	[dreg:$0x1] =	wrdreg $0xFFFFFFFF  }
0xc0: {  	_ =	task.clear_ibuf [dreg:s6], $0x2FFFF;
	_ =	strace $0x9FFFFFFF  }
0xc1: {  	(tm) =	ssettm $0x7FFFFFFF  }
tec
execute0_lowered:
.L_overlay_start_1:
0x0: {  	(tag) =	ssettag $0x1  }
0x1: {  	s0 =	srdreg.scid  }
0x2: {  	s2 =	stileid.u32;
	s1 =	rddreg [dreg:$0x0]  }
0x3: {  	s13 =	simm.s32 $0x4;
	s12 =	simm.s32 $0x100;
	s11 =	simm.s32 $0xA900  }
0x4: {  	s15 =	simm.s32 $0xB100;
	s16 =	simm.s32 $0xB900;
	s17 =	simm.s32 $0xC100  }
0x5: {  	s28 =	simm.s32 $0x11100;
	s29 =	simm.s32 $0x11900;
	s30 =	simm.s32 $0x12100  }
0x6: {  	s31 =	simm.s32 $0x12900;
	s0 =	sand.u32 $0x1, s0;
	s3 =	sshll.u32 s2, $0x1  }
0x7: {  	s2 =	simm.s32 $0x0;
	s7 =	sadd.s32 $0x21400, s1;
	s8 =	sadd.s32 $0xC1800, s1  }
0x8: {  	s4 =	sor.u32 s0, s3;
	[smem:$0x7FF] =	sst s2;
	s0 =	ssub.s32 $0x2, s0  }
0x9: {  	s3 =	sadd.s32 $0xC1C00, s1;
	s6 =	smul.u32 $0xA0, s4;
	s21 =	sshrl.u32 s0, $0x1  }
0xa: {  	_ =	strace $0x8000004A;
	s4 =	smul.u32 $0x5000, s4;
	s0 =	ssub.s32 s0, s21  }
0xb: {  	s21 =	simm.s32 $0xE100;
	s5 =	sshrl.u32 s6, $0x3;
	s9 =	sadd.s32 $0x28, s6  }
0xc: {  	s4 =	sadd.s32 s7, s4;
	s23 =	sadd.s32 $0x50, s6;
	s6 =	sadd.s32 $0x78, s6  }
0xd: {  	s5 =	sadd.s32 s8, s5;
	s18 =	sshrl.u32 s9, $0x3;
	[dreg:$0x3] =	wrdreg s4  }
0xe: {  	s20 =	sshll.u32 s9, $0x7;
	s4 =	sadd.s32 $0xC1D00, s1;
	s10 =	sshrl.u32 s23, $0x3  }
0xf: {  	s9 =	sshll.u32 s23, $0x7;
	s24 =	sshrl.u32 s6, $0x3;
	s25 =	sshll.u32 s6, $0x7  }
0x10: {  	s6 =	sadd.s32 $0xC1F00, s1;
	[dreg:$0x2] =	wrdreg s5;
	s19 =	sadd.s32 s8, s18  }
0x11: {  	s23 =	simm.s32 $0xF100;
	s22 =	sadd.s32 s7, s20;
	[dreg:$0x4] =	wrdreg s19  }
0x12: {  	s5 =	sadd.s32 $0xC1E00, s1;
	s10 =	sadd.s32 s8, s10;
	[dreg:$0x5] =	wrdreg s22  }
0x13: {  	s9 =	sadd.s32 s7, s9;
	s8 =	sadd.s32 s8, s24;
	[dreg:$0x6] =	wrdreg s10  }
0x14: {  	s26 =	sadd.s32 s7, s25;
	s7 =	smax.u32 s0, $0x1;
	[dreg:$0x7] =	wrdreg s9  }
0x15: {  	s18 =	simm.s32 $0xC900;
	s20 =	simm.s32 $0xD900;
	[dreg:$0x8] =	wrdreg s8  }
0x16: {  	v2 =	vlaneseq.u32;
	s24 =	simm.s32 $0xF900;
	s25 =	simm.s32 $0x10100;
	[dreg:$0x9] =	wrdreg s26  }
0x17: {  	vm0 =	vmmov $0xffff;
	v1 =	vshrl.u32 v2, $0x3;
	s8 =	simm.s32 $0x5;
	s10 =	simm.s32 $0xA100;
	s9 =	simm.s32 $0x3  }
0x18: {  	v0 =	vand.u32 $0x7, v2;
	v2 =	vor.u32 $0x8, v2;
	v1 =	vmul.u32 $0x8, v1;
	s19 =	simm.s32 $0xD100;
	s22 =	simm.s32 $0xE900;
	s26 =	simm.s32 $0x10900  }
.LBB2_1:
0x19: {  	s14 =	rddreg [dreg:$0x2]  }
0x1a: {  	[tilespmem:s2], [sflag:$0x5] =	stream.linear.gather [hbm4b:s14+s2], $0x28, $0x38;
	[tilespmem:$0x14100] =	vst v63  }
0x1b: {  	_ =	swait.ge [sflag:s8], $0x28  }
0x1c: {  	[sflag:s8] =	ssyncset.done $0x0  }
0x1d: {  	s0 =	rddreg [dreg:$0x3];
	[sflag:s8] =	ssyncadd.s32 $0xFFFFFFD8  }
0x1e: {  	[tilespmem:s12], [sflag:$0x1] =	stream.linear.gather [hbm4b:s0+s2], $0xA000, $0x38;
	[tilespmem:$0x14100] =	vst v63  }
0x1f: {  	s0 =	simm.s32 $0x1  }
0x20: {  	_ =	swait.ge [sflag:s0], $0xA000  }
0x21: {  	[sflag:s0] =	ssyncset.done $0x0  }
0x22: {  	s1 =	simm.s32 $0x80;
	s14 =	rddreg [dreg:$0x4];
	[sflag:s0] =	ssyncadd.s32 $0xFFFF6000  }
0x23: {  	[tilespmem:s1], [sflag:$0x5] =	stream.linear.gather [hbm4b:s14+s2], $0x28, $0x38;
	[tilespmem:$0x14100] =	vst v63  }
0x24: {  	_ =	swait.ge [sflag:s8], $0x28  }
0x25: {  	[sflag:s8] =	ssyncset.done $0x0  }
0x26: {  	s1 =	rddreg [dreg:$0x5];
	[sflag:s8] =	ssyncadd.s32 $0xFFFFFFD8  }
0x27: {  	[tilespmem:s10], [sflag:$0x2] =	stream.linear.gather [hbm4b:s1+s2], $0xA000, $0x38;
	[tilespmem:$0x14100] =	vst v63  }
0x28: {  	v3 =	vld [tilespmem:$0x0];
	_ =	sdelay $0x4  }
0x29: {  	v4 =	vshll.u32 v3, $0x3  }
0x2a: {  	v3 =	vand.u32 $0x7, v3;
	v4 =	vand.u32 $0xFFFFFFC0, v4  }
0x2b: {  	v3 =	vor.u32 v3, v4  }
0x2c: {  	v4 =	vperm.xlane v3, v0;
	_ =	sdelay $0x1  }
0x2d: {  	v4 =	vadd.s32 v1, v4;
	_ =	sdelay $0x4  }
0x2e: {  	[hbm4b:s3+s2] =	stream.indirect_vreg.scatter [tilespmem:s12], [sflag:$0x3], $0x80, v4, vm0, $0xb8;
	[tilespmem:$0x14100] =	vst v63  }
0x2f: {  	s14 =	simm.s32 $0x900;
	v3 =	vperm.xlane v3, v2  }
0x30: {  	[hbm4b:s4+s2] =	stream.indirect_vreg.scatter [tilespmem:s14], [sflag:$0x3], $0x80, v4, vm0, $0xb8;
	[tilespmem:$0x14100] =	vst v63  }
0x31: {  	v3 =	vadd.s32 v1, v3;
	s14 =	simm.s32 $0x1100  }
0x32: {  	[hbm4b:s5+s2] =	stream.indirect_vreg.scatter [tilespmem:s14], [sflag:$0x3], $0x80, v4, vm0, $0xb8;
	[tilespmem:$0x14100] =	vst v63  }
0x33: {  	s14 =	simm.s32 $0x1900  }
0x34: {  	[hbm4b:s6+s2] =	stream.indirect_vreg.scatter [tilespmem:s14], [sflag:$0x3], $0x80, v4, vm0, $0xb8;
	[tilespmem:$0x14100] =	vst v63  }
0x35: {  	s14 =	simm.s32 $0x2100  }
0x36: {  	[hbm4b:s3+s2] =	stream.indirect_vreg.scatter [tilespmem:s14], [sflag:$0x3], $0x80, v3, vm0, $0xb8;
	[tilespmem:$0x14100] =	vst v63  }
0x37: {  	s14 =	simm.s32 $0x2900  }
0x38: {  	[hbm4b:s4+s2] =	stream.indirect_vreg.scatter [tilespmem:s14], [sflag:$0x3], $0x80, v3, vm0, $0xb8;
	[tilespmem:$0x14100] =	vst v63  }
0x39: {  	s14 =	simm.s32 $0x3100  }
0x3a: {  	[hbm4b:s5+s2] =	stream.indirect_vreg.scatter [tilespmem:s14], [sflag:$0x3], $0x80, v3, vm0, $0xb8;
	[tilespmem:$0x14100] =	vst v63  }
0x3b: {  	s14 =	simm.s32 $0x3900  }
0x3c: {  	[hbm4b:s6+s2] =	stream.indirect_vreg.scatter [tilespmem:s14], [sflag:$0x3], $0x80, v3, vm0, $0xb8;
	[tilespmem:$0x14100] =	vst v63  }
0x3d: {  	v3 =	vld [tilespmem:$0x10];
	_ =	sdelay $0x4  }
0x3e: {  	v53 =	vshll.u32 v3, $0x3  }
0x3f: {  	v3 =	vand.u32 $0x7, v3;
	v4 =	vand.u32 $0xFFFFFFC0, v53  }
0x40: {  	v3 =	vor.u32 v3, v4  }
0x41: {  	v4 =	vperm.xlane v3, v0;
	_ =	sdelay $0x1  }
0x42: {  	v4 =	vadd.s32 v1, v4;
	_ =	sdelay $0x3  }
0x43: {  	s14 =	simm.s32 $0x4100  }
0x44: {  	[hbm4b:s3+s2] =	stream.indirect_vreg.scatter [tilespmem:s14], [sflag:$0x3], $0x80, v4, vm0, $0xb8;
	[tilespmem:$0x14100] =	vst v63  }
0x45: {  	v3 =	vperm.xlane v3, v2;
	s14 =	simm.s32 $0x4900  }
0x46: {  	[hbm4b:s4+s2] =	stream.indirect_vreg.scatter [tilespmem:s14], [sflag:$0x3], $0x80, v4, vm0, $0xb8;
	[tilespmem:$0x14100] =	vst v63  }
0x47: {  	v3 =	vadd.s32 v1, v3;
	s14 =	simm.s32 $0x5100  }
0x48: {  	[hbm4b:s5+s2] =	stream.indirect_vreg.scatter [tilespmem:s14], [sflag:$0x3], $0x80, v4, vm0, $0xb8;
	[tilespmem:$0x14100] =	vst v63  }
0x49: {  	s14 =	simm.s32 $0x5900  }
0x4a: {  	[hbm4b:s6+s2] =	stream.indirect_vreg.scatter [tilespmem:s14], [sflag:$0x3], $0x80, v4, vm0, $0xb8;
	[tilespmem:$0x14100] =	vst v63  }
0x4b: {  	s14 =	simm.s32 $0x6100  }
0x4c: {  	[hbm4b:s3+s2] =	stream.indirect_vreg.scatter [tilespmem:s14], [sflag:$0x3], $0x80, v3, vm0, $0xb8;
	[tilespmem:$0x14100] =	vst v63  }
0x4d: {  	s14 =	simm.s32 $0x6900  }
0x4e: {  	[hbm4b:s4+s2] =	stream.indirect_vreg.scatter [tilespmem:s14], [sflag:$0x3], $0x80, v3, vm0, $0xb8;
	[tilespmem:$0x14100] =	vst v63  }
0x4f: {  	s14 =	simm.s32 $0x7100  }
0x50: {  	[hbm4b:s5+s2] =	stream.indirect_vreg.scatter [tilespmem:s14], [sflag:$0x3], $0x80, v3, vm0, $0xb8;
	[tilespmem:$0x14100] =	vst v63  }
0x51: {  	s14 =	simm.s32 $0x7900  }
0x52: {  	[hbm4b:s6+s2] =	stream.indirect_vreg.scatter [tilespmem:s14], [sflag:$0x3], $0x80, v3, vm0, $0xb8;
	[tilespmem:$0x14100] =	vst v63  }
0x53: {  	v3 =	vld.msk [tilespmem:$0x20], $0xff;
	_ =	sdelay $0x4  }
0x54: {  	v54 =	vshll.u32 v3, $0x3  }
0x55: {  	v3 =	vand.u32 $0x7, v3;
	v4 =	vand.u32 $0xFFFFFFC0, v54  }
0x56: {  	v3 =	vor.u32 v3, v4  }
0x57: {  	v3 =	vperm.xlane v3, v0;
	_ =	sdelay $0x1  }
0x58: {  	v3 =	vadd.s32 v1, v3;
	_ =	sdelay $0x3  }
0x59: {  	s14 =	simm.s32 $0x8100  }
0x5a: {  	[hbm4b:s3+s2] =	stream.indirect_vreg.scatter [tilespmem:s14], [sflag:$0x3], $0x80, v3, vm0, $0xb8;
	[tilespmem:$0x14100] =	vst v63  }
0x5b: {  	s14 =	simm.s32 $0x8900  }
0x5c: {  	[hbm4b:s4+s2] =	stream.indirect_vreg.scatter [tilespmem:s14], [sflag:$0x3], $0x80, v3, vm0, $0xb8;
	[tilespmem:$0x14100] =	vst v63  }
0x5d: {  	s14 =	simm.s32 $0x9100  }
0x5e: {  	[hbm4b:s5+s2] =	stream.indirect_vreg.scatter [tilespmem:s14], [sflag:$0x3], $0x80, v3, vm0, $0xb8;
	[tilespmem:$0x14100] =	vst v63  }
0x5f: {  	s1 =	simm.s32 $0x2;
	s14 =	simm.s32 $0x9900  }
0x60: {  	[hbm4b:s6+s2] =	stream.indirect_vreg.scatter [tilespmem:s14], [sflag:$0x3], $0x80, v3, vm0, $0xb8;
	[tilespmem:$0x14100] =	vst v63  }
0x61: {  	_ =	swait.ge [sflag:s1], $0xA000  }
0x62: {  	[sflag:s1] =	ssyncset.done $0x0  }
0x63: {  	[sflag:s1] =	ssyncadd.s32 $0xFFFF6000  }
0x64: {  	_ =	swait.ge [sflag:s9], $0xA000  }
0x65: {  	[sflag:s9] =	ssyncset.done $0x0  }
0x66: {  	s14 =	rddreg [dreg:$0x6];
	[sflag:s9] =	ssyncadd.s32 $0xFFFF6000  }
0x67: {  	[tilespmem:s2], [sflag:$0x5] =	stream.linear.gather [hbm4b:s14+s2], $0x28, $0x38;
	[tilespmem:$0x14100] =	vst v63  }
0x68: {  	_ =	swait.ge [sflag:s8], $0x28  }
0x69: {  	[sflag:s8] =	ssyncset.done $0x0  }
0x6a: {  	s14 =	rddreg [dreg:$0x7];
	[sflag:s8] =	ssyncadd.s32 $0xFFFFFFD8  }
0x6b: {  	[tilespmem:s12], [sflag:$0x1] =	stream.linear.gather [hbm4b:s14+s2], $0xA000, $0x38;
	[tilespmem:$0x14100] =	vst v63  }
0x6c: {  	v3 =	vld [tilespmem:$0x80];
	_ =	sdelay $0x4  }
0x6d: {  	v55 =	vshll.u32 v3, $0x3  }
0x6e: {  	v3 =	vand.u32 $0x7, v3;
	v4 =	vand.u32 $0xFFFFFFC0, v55  }
0x6f: {  	v3 =	vor.u32 v3, v4  }
0x70: {  	v4 =	vperm.xlane v3, v0;
	_ =	sdelay $0x1  }
0x71: {  	v4 =	vadd.s32 v1, v4;
	_ =	sdelay $0x4  }
0x72: {  	[hbm4b:s3+s2] =	stream.indirect_vreg.scatter [tilespmem:s10], [sflag:$0x4], $0x80, v4, vm0, $0xb8;
	[tilespmem:$0x14100] =	vst v63  }
0x73: {  	v3 =	vperm.xlane v3, v2  }
0x74: {  	[hbm4b:s4+s2] =	stream.indirect_vreg.scatter [tilespmem:s11], [sflag:$0x4], $0x80, v4, vm0, $0xb8;
	[tilespmem:$0x14100] =	vst v63  }
0x75: {  	v3 =	vadd.s32 v1, v3  }
0x76: {  	[hbm4b:s5+s2] =	stream.indirect_vreg.scatter [tilespmem:s15], [sflag:$0x4], $0x80, v4, vm0, $0xb8;
	[tilespmem:$0x14100] =	vst v63  }
0x77: {  	_ = 	snop  }
0x78: {  	[hbm4b:s6+s2] =	stream.indirect_vreg.scatter [tilespmem:s16], [sflag:$0x4], $0x80, v4, vm0, $0xb8;
	[tilespmem:$0x14100] =	vst v63  }
0x79: {  	_ = 	snop  }
0x7a: {  	[hbm4b:s3+s2] =	stream.indirect_vreg.scatter [tilespmem:s17], [sflag:$0x4], $0x80, v3, vm0, $0xb8;
	[tilespmem:$0x14100] =	vst v63  }
0x7b: {  	_ = 	snop  }
0x7c: {  	[hbm4b:s4+s2] =	stream.indirect_vreg.scatter [tilespmem:s18], [sflag:$0x4], $0x80, v3, vm0, $0xb8;
	[tilespmem:$0x14100] =	vst v63  }
0x7d: {  	_ = 	snop  }
0x7e: {  	[hbm4b:s5+s2] =	stream.indirect_vreg.scatter [tilespmem:s19], [sflag:$0x4], $0x80, v3, vm0, $0xb8;
	[tilespmem:$0x14100] =	vst v63  }
0x7f: {  	_ = 	snop  }
0x80: {  	[hbm4b:s6+s2] =	stream.indirect_vreg.scatter [tilespmem:s20], [sflag:$0x4], $0x80, v3, vm0, $0xb8;
	[tilespmem:$0x14100] =	vst v63  }
0x81: {  	v3 =	vld [tilespmem:$0x90];
	_ =	sdelay $0x4  }
0x82: {  	v56 =	vshll.u32 v3, $0x3  }
0x83: {  	v3 =	vand.u32 $0x7, v3;
	v4 =	vand.u32 $0xFFFFFFC0, v56  }
0x84: {  	v3 =	vor.u32 v3, v4  }
0x85: {  	v4 =	vperm.xlane v3, v0;
	_ =	sdelay $0x1  }
0x86: {  	v4 =	vadd.s32 v1, v4;
	_ =	sdelay $0x4  }
0x87: {  	[hbm4b:s3+s2] =	stream.indirect_vreg.scatter [tilespmem:s21], [sflag:$0x4], $0x80, v4, vm0, $0xb8;
	[tilespmem:$0x14100] =	vst v63  }
0x88: {  	v3 =	vperm.xlane v3, v2  }
0x89: {  	[hbm4b:s4+s2] =	stream.indirect_vreg.scatter [tilespmem:s22], [sflag:$0x4], $0x80, v4, vm0, $0xb8;
	[tilespmem:$0x14100] =	vst v63  }
0x8a: {  	v3 =	vadd.s32 v1, v3  }
0x8b: {  	[hbm4b:s5+s2] =	stream.indirect_vreg.scatter [tilespmem:s23], [sflag:$0x4], $0x80, v4, vm0, $0xb8;
	[tilespmem:$0x14100] =	vst v63  }
0x8c: {  	_ = 	snop  }
0x8d: {  	[hbm4b:s6+s2] =	stream.indirect_vreg.scatter [tilespmem:s24], [sflag:$0x4], $0x80, v4, vm0, $0xb8;
	[tilespmem:$0x14100] =	vst v63  }
0x8e: {  	_ = 	snop  }
0x8f: {  	[hbm4b:s3+s2] =	stream.indirect_vreg.scatter [tilespmem:s25], [sflag:$0x4], $0x80, v3, vm0, $0xb8;
	[tilespmem:$0x14100] =	vst v63  }
0x90: {  	_ = 	snop  }
0x91: {  	[hbm4b:s4+s2] =	stream.indirect_vreg.scatter [tilespmem:s26], [sflag:$0x4], $0x80, v3, vm0, $0xb8;
	[tilespmem:$0x14100] =	vst v63  }
0x92: {  	_ = 	snop  }
0x93: {  	[hbm4b:s5+s2] =	stream.indirect_vreg.scatter [tilespmem:s28], [sflag:$0x4], $0x80, v3, vm0, $0xb8;
	[tilespmem:$0x14100] =	vst v63  }
0x94: {  	_ = 	snop  }
0x95: {  	[hbm4b:s6+s2] =	stream.indirect_vreg.scatter [tilespmem:s29], [sflag:$0x4], $0x80, v3, vm0, $0xb8;
	[tilespmem:$0x14100] =	vst v63  }
0x96: {  	v3 =	vld.msk [tilespmem:$0xA0], $0xff;
	_ =	sdelay $0x4  }
0x97: {  	v57 =	vshll.u32 v3, $0x3  }
0x98: {  	v3 =	vand.u32 $0x7, v3;
	v4 =	vand.u32 $0xFFFFFFC0, v57  }
0x99: {  	v3 =	vor.u32 v3, v4  }
0x9a: {  	v3 =	vperm.xlane v3, v0;
	_ =	sdelay $0x1  }
0x9b: {  	v3 =	vadd.s32 v1, v3;
	_ =	sdelay $0x4  }
0x9c: {  	[hbm4b:s3+s2] =	stream.indirect_vreg.scatter [tilespmem:s30], [sflag:$0x4], $0x80, v3, vm0, $0xb8;
	[tilespmem:$0x14100] =	vst v63  }
0x9d: {  	_ = 	snop  }
0x9e: {  	[hbm4b:s4+s2] =	stream.indirect_vreg.scatter [tilespmem:s31], [sflag:$0x4], $0x80, v3, vm0, $0xb8;
	[tilespmem:$0x14100] =	vst v63  }
0x9f: {  	s14 =	simm.s32 $0x13100  }
0xa0: {  	[hbm4b:s5+s2] =	stream.indirect_vreg.scatter [tilespmem:s14], [sflag:$0x4], $0x80, v3, vm0, $0xb8;
	[tilespmem:$0x14100] =	vst v63  }
0xa1: {  	s14 =	simm.s32 $0x13900  }
0xa2: {  	[hbm4b:s6+s2] =	stream.indirect_vreg.scatter [tilespmem:s14], [sflag:$0x4], $0x80, v3, vm0, $0xb8;
	[tilespmem:$0x14100] =	vst v63  }
0xa3: {  	_ =	swait.ge [sflag:s0], $0xA000  }
0xa4: {  	[sflag:s0] =	ssyncset.done $0x0  }
0xa5: {  	[sflag:s0] =	ssyncadd.s32 $0xFFFF6000  }
0xa6: {  	_ =	swait.ge [sflag:s13], $0xA000  }
0xa7: {  	[sflag:s13] =	ssyncset.done $0x0  }
0xa8: {  	s0 =	simm.s32 $0x80;
	s14 =	rddreg [dreg:$0x8];
	[sflag:s13] =	ssyncadd.s32 $0xFFFF6000  }
0xa9: {  	[tilespmem:s0], [sflag:$0x5] =	stream.linear.gather [hbm4b:s14+s2], $0x28, $0x38;
	[tilespmem:$0x14100] =	vst v63  }
0xaa: {  	_ =	swait.ge [sflag:s8], $0x28  }
0xab: {  	[sflag:s8] =	ssyncset.done $0x0  }
0xac: {  	s0 =	rddreg [dreg:$0x9];
	[sflag:s8] =	ssyncadd.s32 $0xFFFFFFD8  }
0xad: {  	[tilespmem:s10], [sflag:$0x2] =	stream.linear.gather [hbm4b:s0+s2], $0xA000, $0x38;
	[tilespmem:$0x14100] =	vst v63  }
0xae: {  	v3 =	vld [tilespmem:$0x0];
	_ =	sdelay $0x4  }
0xaf: {  	v58 =	vshll.u32 v3, $0x3  }
0xb0: {  	v3 =	vand.u32 $0x7, v3;
	v4 =	vand.u32 $0xFFFFFFC0, v58  }
0xb1: {  	v3 =	vor.u32 v3, v4  }
0xb2: {  	v4 =	vperm.xlane v3, v0;
	_ =	sdelay $0x1  }
0xb3: {  	v4 =	vadd.s32 v1, v4;
	_ =	sdelay $0x4  }
0xb4: {  	[hbm4b:s3+s2] =	stream.indirect_vreg.scatter [tilespmem:s12], [sflag:$0x3], $0x80, v4, vm0, $0xb8;
	[tilespmem:$0x14100] =	vst v63  }
0xb5: {  	s14 =	simm.s32 $0x900;
	v3 =	vperm.xlane v3, v2  }
0xb6: {  	[hbm4b:s4+s2] =	stream.indirect_vreg.scatter [tilespmem:s14], [sflag:$0x3], $0x80, v4, vm0, $0xb8;
	[tilespmem:$0x14100] =	vst v63  }
0xb7: {  	v3 =	vadd.s32 v1, v3;
	s14 =	simm.s32 $0x1100  }
0xb8: {  	[hbm4b:s5+s2] =	stream.indirect_vreg.scatter [tilespmem:s14], [sflag:$0x3], $0x80, v4, vm0, $0xb8;
	[tilespmem:$0x14100] =	vst v63  }
0xb9: {  	s14 =	simm.s32 $0x1900  }
0xba: {  	[hbm4b:s6+s2] =	stream.indirect_vreg.scatter [tilespmem:s14], [sflag:$0x3], $0x80, v4, vm0, $0xb8;
	[tilespmem:$0x14100] =	vst v63  }
0xbb: {  	s14 =	simm.s32 $0x2100  }
0xbc: {  	[hbm4b:s3+s2] =	stream.indirect_vreg.scatter [tilespmem:s14], [sflag:$0x3], $0x80, v3, vm0, $0xb8;
	[tilespmem:$0x14100] =	vst v63  }
0xbd: {  	s14 =	simm.s32 $0x2900  }
0xbe: {  	[hbm4b:s4+s2] =	stream.indirect_vreg.scatter [tilespmem:s14], [sflag:$0x3], $0x80, v3, vm0, $0xb8;
	[tilespmem:$0x14100] =	vst v63  }
0xbf: {  	s14 =	simm.s32 $0x3100  }
0xc0: {  	[hbm4b:s5+s2] =	stream.indirect_vreg.scatter [tilespmem:s14], [sflag:$0x3], $0x80, v3, vm0, $0xb8;
	[tilespmem:$0x14100] =	vst v63  }
0xc1: {  	s14 =	simm.s32 $0x3900  }
0xc2: {  	[hbm4b:s6+s2] =	stream.indirect_vreg.scatter [tilespmem:s14], [sflag:$0x3], $0x80, v3, vm0, $0xb8;
	[tilespmem:$0x14100] =	vst v63  }
0xc3: {  	v3 =	vld [tilespmem:$0x10];
	_ =	sdelay $0x4  }
0xc4: {  	v59 =	vshll.u32 v3, $0x3  }
0xc5: {  	v3 =	vand.u32 $0x7, v3;
	v4 =	vand.u32 $0xFFFFFFC0, v59  }
0xc6: {  	v3 =	vor.u32 v3, v4  }
0xc7: {  	v4 =	vperm.xlane v3, v0;
	_ =	sdelay $0x1  }
0xc8: {  	v4 =	vadd.s32 v1, v4;
	_ =	sdelay $0x3  }
0xc9: {  	s14 =	simm.s32 $0x4100  }
0xca: {  	[hbm4b:s3+s2] =	stream.indirect_vreg.scatter [tilespmem:s14], [sflag:$0x3], $0x80, v4, vm0, $0xb8;
	[tilespmem:$0x14100] =	vst v63  }
0xcb: {  	v3 =	vperm.xlane v3, v2;
	s14 =	simm.s32 $0x4900  }
0xcc: {  	[hbm4b:s4+s2] =	stream.indirect_vreg.scatter [tilespmem:s14], [sflag:$0x3], $0x80, v4, vm0, $0xb8;
	[tilespmem:$0x14100] =	vst v63  }
0xcd: {  	v3 =	vadd.s32 v1, v3;
	s14 =	simm.s32 $0x5100  }
0xce: {  	[hbm4b:s5+s2] =	stream.indirect_vreg.scatter [tilespmem:s14], [sflag:$0x3], $0x80, v4, vm0, $0xb8;
	[tilespmem:$0x14100] =	vst v63  }
0xcf: {  	s14 =	simm.s32 $0x5900  }
0xd0: {  	[hbm4b:s6+s2] =	stream.indirect_vreg.scatter [tilespmem:s14], [sflag:$0x3], $0x80, v4, vm0, $0xb8;
	[tilespmem:$0x14100] =	vst v63  }
0xd1: {  	s14 =	simm.s32 $0x6100  }
0xd2: {  	[hbm4b:s3+s2] =	stream.indirect_vreg.scatter [tilespmem:s14], [sflag:$0x3], $0x80, v3, vm0, $0xb8;
	[tilespmem:$0x14100] =	vst v63  }
0xd3: {  	s14 =	simm.s32 $0x6900  }
0xd4: {  	[hbm4b:s4+s2] =	stream.indirect_vreg.scatter [tilespmem:s14], [sflag:$0x3], $0x80, v3, vm0, $0xb8;
	[tilespmem:$0x14100] =	vst v63  }
0xd5: {  	s14 =	simm.s32 $0x7100  }
0xd6: {  	[hbm4b:s5+s2] =	stream.indirect_vreg.scatter [tilespmem:s14], [sflag:$0x3], $0x80, v3, vm0, $0xb8;
	[tilespmem:$0x14100] =	vst v63  }
0xd7: {  	s14 =	simm.s32 $0x7900  }
0xd8: {  	[hbm4b:s6+s2] =	stream.indirect_vreg.scatter [tilespmem:s14], [sflag:$0x3], $0x80, v3, vm0, $0xb8;
	[tilespmem:$0x14100] =	vst v63  }
0xd9: {  	v3 =	vld.msk [tilespmem:$0x20], $0xff;
	_ =	sdelay $0x4  }
0xda: {  	v60 =	vshll.u32 v3, $0x3  }
0xdb: {  	v3 =	vand.u32 $0x7, v3;
	v4 =	vand.u32 $0xFFFFFFC0, v60  }
0xdc: {  	v3 =	vor.u32 v3, v4  }
0xdd: {  	v3 =	vperm.xlane v3, v0;
	_ =	sdelay $0x1  }
0xde: {  	v3 =	vadd.s32 v1, v3;
	_ =	sdelay $0x3  }
0xdf: {  	s14 =	simm.s32 $0x8100  }
0xe0: {  	[hbm4b:s3+s2] =	stream.indirect_vreg.scatter [tilespmem:s14], [sflag:$0x3], $0x80, v3, vm0, $0xb8;
	[tilespmem:$0x14100] =	vst v63  }
0xe1: {  	s14 =	simm.s32 $0x8900  }
0xe2: {  	[hbm4b:s4+s2] =	stream.indirect_vreg.scatter [tilespmem:s14], [sflag:$0x3], $0x80, v3, vm0, $0xb8;
	[tilespmem:$0x14100] =	vst v63  }
0xe3: {  	s14 =	simm.s32 $0x9100  }
0xe4: {  	[hbm4b:s5+s2] =	stream.indirect_vreg.scatter [tilespmem:s14], [sflag:$0x3], $0x80, v3, vm0, $0xb8;
	[tilespmem:$0x14100] =	vst v63  }
0xe5: {  	s14 =	simm.s32 $0x9900  }
0xe6: {  	[hbm4b:s6+s2] =	stream.indirect_vreg.scatter [tilespmem:s14], [sflag:$0x3], $0x80, v3, vm0, $0xb8;
	[tilespmem:$0x14100] =	vst v63  }
0xe7: {  	_ =	swait.ge [sflag:s1], $0xA000  }
0xe8: {  	[sflag:s1] =	ssyncset.done $0x0  }
0xe9: {  	[sflag:s1] =	ssyncadd.s32 $0xFFFF6000  }
0xea: {  	v3 =	vld [tilespmem:$0x80];
	_ =	sdelay $0x4  }
0xeb: {  	v61 =	vshll.u32 v3, $0x3  }
0xec: {  	v3 =	vand.u32 $0x7, v3;
	v4 =	vand.u32 $0xFFFFFFC0, v61  }
0xed: {  	v3 =	vor.u32 v3, v4  }
0xee: {  	v4 =	vperm.xlane v3, v0;
	_ =	sdelay $0x1  }
0xef: {  	v4 =	vadd.s32 v1, v4;
	_ =	sdelay $0x4  }
0xf0: {  	[hbm4b:s3+s2] =	stream.indirect_vreg.scatter [tilespmem:s10], [sflag:$0x4], $0x80, v4, vm0, $0xb8;
	[tilespmem:$0x14100] =	vst v63  }
0xf1: {  	v3 =	vperm.xlane v3, v2  }
0xf2: {  	[hbm4b:s4+s2] =	stream.indirect_vreg.scatter [tilespmem:s11], [sflag:$0x4], $0x80, v4, vm0, $0xb8;
	[tilespmem:$0x14100] =	vst v63  }
0xf3: {  	v3 =	vadd.s32 v1, v3  }
0xf4: {  	[hbm4b:s5+s2] =	stream.indirect_vreg.scatter [tilespmem:s15], [sflag:$0x4], $0x80, v4, vm0, $0xb8;
	[tilespmem:$0x14100] =	vst v63  }
0xf5: {  	_ = 	snop  }
0xf6: {  	[hbm4b:s6+s2] =	stream.indirect_vreg.scatter [tilespmem:s16], [sflag:$0x4], $0x80, v4, vm0, $0xb8;
	[tilespmem:$0x14100] =	vst v63  }
0xf7: {  	_ = 	snop  }
0xf8: {  	[hbm4b:s3+s2] =	stream.indirect_vreg.scatter [tilespmem:s17], [sflag:$0x4], $0x80, v3, vm0, $0xb8;
	[tilespmem:$0x14100] =	vst v63  }
0xf9: {  	_ = 	snop  }
0xfa: {  	[hbm4b:s4+s2] =	stream.indirect_vreg.scatter [tilespmem:s18], [sflag:$0x4], $0x80, v3, vm0, $0xb8;
	[tilespmem:$0x14100] =	vst v63  }
0xfb: {  	_ = 	snop  }
0xfc: {  	[hbm4b:s5+s2] =	stream.indirect_vreg.scatter [tilespmem:s19], [sflag:$0x4], $0x80, v3, vm0, $0xb8;
	[tilespmem:$0x14100] =	vst v63  }
0xfd: {  	_ = 	snop  }
0xfe: {  	[hbm4b:s6+s2] =	stream.indirect_vreg.scatter [tilespmem:s20], [sflag:$0x4], $0x80, v3, vm0, $0xb8;
	[tilespmem:$0x14100] =	vst v63  }
0xff: {  	v3 =	vld [tilespmem:$0x90];
	_ =	sdelay $0x4  }
0x100: {  	v62 =	vshll.u32 v3, $0x3  }
0x101: {  	v3 =	vand.u32 $0x7, v3;
	v4 =	vand.u32 $0xFFFFFFC0, v62  }
0x102: {  	v3 =	vor.u32 v3, v4  }
0x103: {  	v4 =	vperm.xlane v3, v0;
	_ =	sdelay $0x1  }
0x104: {  	v4 =	vadd.s32 v1, v4;
	_ =	sdelay $0x4  }
0x105: {  	[hbm4b:s3+s2] =	stream.indirect_vreg.scatter [tilespmem:s21], [sflag:$0x4], $0x80, v4, vm0, $0xb8;
	[tilespmem:$0x14100] =	vst v63  }
0x106: {  	v3 =	vperm.xlane v3, v2  }
0x107: {  	[hbm4b:s4+s2] =	stream.indirect_vreg.scatter [tilespmem:s22], [sflag:$0x4], $0x80, v4, vm0, $0xb8;
	[tilespmem:$0x14100] =	vst v63  }
0x108: {  	v3 =	vadd.s32 v1, v3  }
0x109: {  	[hbm4b:s5+s2] =	stream.indirect_vreg.scatter [tilespmem:s23], [sflag:$0x4], $0x80, v4, vm0, $0xb8;
	[tilespmem:$0x14100] =	vst v63  }
0x10a: {  	_ = 	snop  }
0x10b: {  	[hbm4b:s6+s2] =	stream.indirect_vreg.scatter [tilespmem:s24], [sflag:$0x4], $0x80, v4, vm0, $0xb8;
	[tilespmem:$0x14100] =	vst v63  }
0x10c: {  	_ = 	snop  }
0x10d: {  	[hbm4b:s3+s2] =	stream.indirect_vreg.scatter [tilespmem:s25], [sflag:$0x4], $0x80, v3, vm0, $0xb8;
	[tilespmem:$0x14100] =	vst v63  }
0x10e: {  	_ = 	snop  }
0x10f: {  	[hbm4b:s4+s2] =	stream.indirect_vreg.scatter [tilespmem:s26], [sflag:$0x4], $0x80, v3, vm0, $0xb8;
	[tilespmem:$0x14100] =	vst v63  }
0x110: {  	_ = 	snop  }
0x111: {  	[hbm4b:s5+s2] =	stream.indirect_vreg.scatter [tilespmem:s28], [sflag:$0x4], $0x80, v3, vm0, $0xb8;
	[tilespmem:$0x14100] =	vst v63  }
0x112: {  	_ = 	snop  }
0x113: {  	[hbm4b:s6+s2] =	stream.indirect_vreg.scatter [tilespmem:s29], [sflag:$0x4], $0x80, v3, vm0, $0xb8;
	[tilespmem:$0x14100] =	vst v63  }
0x114: {  	v3 =	vld.msk [tilespmem:$0xA0], $0xff;
	_ =	sdelay $0x4  }
0x115: {  	v63 =	vshll.u32 v3, $0x3  }
0x116: {  	v3 =	vand.u32 $0x7, v3;
	v4 =	vand.u32 $0xFFFFFFC0, v63  }
0x117: {  	v3 =	vor.u32 v3, v4  }
0x118: {  	v3 =	vperm.xlane v3, v0;
	_ =	sdelay $0x1  }
0x119: {  	v3 =	vadd.s32 v1, v3;
	_ =	sdelay $0x4  }
0x11a: {  	[hbm4b:s3+s2] =	stream.indirect_vreg.scatter [tilespmem:s30], [sflag:$0x4], $0x80, v3, vm0, $0xb8;
	[tilespmem:$0x14100] =	vst v63  }
0x11b: {  	_ = 	snop  }
0x11c: {  	[hbm4b:s4+s2] =	stream.indirect_vreg.scatter [tilespmem:s31], [sflag:$0x4], $0x80, v3, vm0, $0xb8;
	[tilespmem:$0x14100] =	vst v63  }
0x11d: {  	s1 =	simm.s32 $0x13100  }
0x11e: {  	[hbm4b:s5+s2] =	stream.indirect_vreg.scatter [tilespmem:s1], [sflag:$0x4], $0x80, v3, vm0, $0xb8;
	[tilespmem:$0x14100] =	vst v63  }
0x11f: {  	s14 =	simm.s32 $0x13900  }
0x120: {  	[hbm4b:s6+s2] =	stream.indirect_vreg.scatter [tilespmem:s14], [sflag:$0x4], $0x80, v3, vm0, $0xb8;
	[tilespmem:$0x14100] =	vst v63  }
0x121: {  	p0 =	sne.s32 s7, $0x1;
	_ =	swait.ge [sflag:s9], $0xA000  }
.Ltmp0:
0x122: {  	[sflag:s9] =	ssyncset.done $0x0;
	(pc) =	sbr.rel @p0 .LBB2_1-.Ltmp0, $4  }
0x123: {  	[sflag:s9] =	ssyncadd.s32 $0xFFFF6000  }
0x124: {  	_ =	swait.ge [sflag:s13], $0xA000  }
0x125: {  	[sflag:s13] =	ssyncset.done $0x0  }
0x126: {  	s7 =	sadd.s32 $0xFFFFFFFF, s7;
	[sflag:s13] =	ssyncadd.s32 $0xFFFF6000  }
0x127: {  	_ =	sfence.sel $0x180000  }
0x128: {  	[bflag:$0x0] =	sbarrier.arrive $0xFFFF  }
0x129: {  	_ =	strace $0x9000004A  }
0x12a: {  	s0 =	stileid.u32;
	[bflag:$0x2] =	sbarrier.arrive $0xFFFF  }
0x12b: {  	p0 =	sne.s32 s0, $0x0;
	s0 =	rddreg [dreg:$0x1]  }
0x12c: {  	s0 =	sadd.s32 @!p0 $0x100000, s0  }
0x12d: {  	[sflag:s0] =	ssyncadd.tile.s32 @!p0 $0x1;
	_ =	shalt  }
.Lfunc_end2:
_tile_overlayer_lowered:
.L_overlay_start_2:
0x12e: {  	(tag) =	ssettag $0x2  }
0x12f: {  	s0 =	rddreg [dreg:$0x0];
	s2 =	stileid.u32  }
0x130: {  	s1 =	rddreg [dreg:$0x1];
	p0 =	sne.s32 s2, $0x0  }
0x131: {  	s3 =	rddreg [dreg:$0x2];
	[bflag:$0x3] =	sbarrier.arrive $0xFFFF;
	s2 =	simm.s32 @!p0 $0x1C05  }
0x132: {  	[timem:s3], [sflag:s2] =	dma.local @!p0 [hbm:s0], s1  }
0x133: {  	s0 =	simm.s32 @!p0 $0x5  }
0x134: {  	_ =	swait.ge @!p0 [sflag:s0], s1  }
0x135: {  	s1 =	ssub.s32 @!p0 $0x0, s1;
	[sflag:s0] =	ssyncset.done @!p0 $0x0  }
0x136: {  	[sflag:s0] =	ssyncadd.s32 @!p0 s1  }
0x137: {  	[bflag:$0x3] =	sbarrier.arrive $0xFFFF  }
0x138: {  	_ =	shalt  }

// kernel: kernel.7.cloned.1.call-start
scs
__scs_entry_jumppad:
0x0: {  	(pc) =	sbr.rel $0x88, $3  }
0x1: {  	(tag) =	ssettag $0x0;
	lr =	simm.s32 $0x1  }
0x2: {  	[smem:$0x3F9A] =	sst lr;
	_ =	strace $0xD0000000  }
0x3: {  	_ = 	snop  }
0x4: {  	_ = 	snop  }
0x5: {  	_ = 	snop  }
0x6: {  	_ = 	snop  }
0x7: {  	_ = 	snop  }
__scs_overlays_trampoline_lowered:
0x8: {  	[smem:$0x3FA9] =	sst s0  }
0x9: {  	[smem:$0x3FAA] =	sst s1  }
0xa: {  	[smem:$0x3FAB] =	sst s2  }
0xb: {  	[smem:$0x3FAC] =	sst s3  }
0xc: {  	[smem:$0x3FAD] =	sst s4  }
0xd: {  	[smem:$0x3FAE] =	sst s5  }
0xe: {  	[smem:$0x3FAF] =	sst s6  }
0xf: {  	[smem:$0x3FB0] =	sst s7  }
0x10: {  	[smem:$0x3FB1] =	sst s8  }
0x11: {  	[smem:$0x3FB2] =	sst s9;
	s0 =	simm.s32 @!p0 $0x0  }
0x12: {  	s1 =	sld [smem:$0x3F98];
	s0 =	simm.s32 @p0 $0x1  }
0x13: {  	[smem:$0x3FB3] =	sst s0;
	s0 =	simm.s32 @!p1 $0x0  }
0x14: {  	s2 =	sld [smem:$0x3F97];
	s0 =	simm.s32 @p1 $0x1  }
0x15: {  	[smem:$0x3FB4] =	sst s0;
	s0 =	simm.s32 @!p2 $0x0  }
0x16: {  	s3 =	sld [smem:$0x3FDB];
	s0 =	simm.s32 @p2 $0x1  }
0x17: {  	s4 =	simm.s32 $0x1BF5;
	[smem:$0x3FB6] =	sst s0  }
0x18: {  	s0 =	sld [smem:$0x3F99];
	_ =	swait.ge [sflag:s4], $0x0  }
0x19: {  	s7 =	sld [smem:$0x3F9A]  }
0x1a: {  	s8 =	sadd.s32 $0xFFFFE003, lr  }
0x1b: {  	s9 =	sadd.s32 $0xFFFFFEF7, lr;
	s5 =	simm.s32 $0xFFFFFFFF;
	p2 =	slt.u32 s8, $0xFFFFF086  }
0x1c: {  	p1 =	slt.u32 s9, $0xF7A;
	s5 =	simm.s32 @!p2 $0x0  }
0x1d: {  	s5 =	simm.s32 @p1 $0x1;
	p0 =	seq.s32 s7, s2  }
0x1e: {  	s7 =	smul.u32 @!p0 $0xF7A, s2;
	p2 =	seq.s32 @!p0 s5, $0x0  }
0x1f: {  	s9 =	smul.u32 $0xF7A, s1;
	s8 =	simm.s32 @!p0 $0x1BF5;
	p2 =	por !p2, p0  }
0x20: {  	[sflag:s8] =	ssyncset.s32 @!p0 $0xFFFFF086;
	s6 =	sadd.s32 @!p0 s3, s7;
	s7 =	simm.s32 @!p0 $0x108  }
0x21: {  	s3 =	sadd.s32 s3, s9;
	s6 =	sadd.s32 @!p0 $0x88, s6;
	s7 =	simm.s32 @p2 $0x1082  }
0x22: {  	[simem:s7], [sflag:s8] =	dma.local @!p0 [hbm:s6], $0xF7A  }
0x23: {  	s9 =	sor.u32 $0xD0000000, s2;
	s6 =	simm.s32 $0x108;
	_ =	swait.ge @!p0 [sflag:s8], $0x0  }
0x24: {  	s3 =	sadd.s32 $0x88, s3;
	s6 =	simm.s32 @!p1 $0x1082;
	[sflag:s4] =	ssyncset.s32 $0xFFFFF086  }
0x25: {  	[simem:s6], [sflag:s4] =	dma.local [hbm:s3], $0xF7A  }
0x26: {  	[smem:$0x3F9A] =	sst s1;
	(tag) =	ssettag s2;
	_ =	strace s9  }
0x27: {  	s1 =	sld [smem:$0x3FAA]  }
0x28: {  	s2 =	sld [smem:$0x3FAB]  }
0x29: {  	s4 =	sld [smem:$0x3FAD]  }
0x2a: {  	p0 =	seq.s32 s5, $0x0;
	s5 =	sld [smem:$0x3FAE]  }
0x2b: {  	s6 =	sld [smem:$0x3FAF]  }
0x2c: {  	s7 =	sld [smem:$0x3FB0]  }
0x2d: {  	s3 =	simm.s32 $0x108;
	s8 =	sld [smem:$0x3FB1]  }
0x2e: {  	s3 =	simm.s32 @!p0 $0x1082;
	s9 =	sld [smem:$0x3FB2]  }
0x2f: {  	lr =	sadd.s32 s0, s3;
	s0 =	sld [smem:$0x3FA9]  }
0x30: {  	s3 =	sld [smem:$0x3FAC]  }
0x31: {  	[smem:$0x3FB5] =	sst s10  }
0x32: {  	s10 =	sld [smem:$0x3FB3];
	_ =	sdelay $0x3  }
0x33: {  	p0 =	seq.s32 s10, $0x1;
	s10 =	sld [smem:$0x3FB5];
	_ =	sdelay $0x3  }
0x34: {  	[smem:$0x3FB5] =	sst s10  }
0x35: {  	s10 =	sld [smem:$0x3FB4];
	_ =	sdelay $0x3  }
0x36: {  	p1 =	seq.s32 s10, $0x1;
	s10 =	sld [smem:$0x3FB5];
	_ =	sdelay $0x3  }
0x37: {  	[smem:$0x3FB5] =	sst s10  }
0x38: {  	s10 =	sld [smem:$0x3FB6]  }
0x39: {  	_ = 	snop;
	(pc) =	sbr.ind lr, $3  }
0x3a: {  	_ = 	snop  }
0x3b: {  	_ = 	snop  }
0x3c: {  	p2 =	seq.s32 s10, $0x1;
	s10 =	sld [smem:$0x3FB5]  }
0x3d: {  	_ =	shalt  }
0x3e: {  	_ =	shalt  }
0x3f: {  	_ =	shalt  }
0x40: {  	_ =	shalt  }
0x41: {  	_ =	shalt  }
0x42: {  	_ =	shalt  }
0x43: {  	_ =	shalt  }
0x44: {  	_ =	shalt  }
0x45: {  	_ =	shalt  }
0x46: {  	_ =	shalt  }
0x47: {  	_ =	shalt  }
0x48: {  	_ =	shalt  }
0x49: {  	_ =	shalt  }
0x4a: {  	_ =	shalt  }
0x4b: {  	_ =	shalt  }
0x4c: {  	_ =	shalt  }
0x4d: {  	_ =	shalt  }
0x4e: {  	_ =	shalt  }
0x4f: {  	_ =	shalt  }
0x50: {  	_ =	shalt  }
0x51: {  	_ =	shalt  }
0x52: {  	_ =	shalt  }
0x53: {  	_ =	shalt  }
0x54: {  	_ =	shalt  }
0x55: {  	_ =	shalt  }
0x56: {  	_ =	shalt  }
0x57: {  	_ =	shalt  }
0x58: {  	_ =	shalt  }
0x59: {  	_ =	shalt  }
0x5a: {  	_ =	shalt  }
0x5b: {  	_ =	shalt  }
0x5c: {  	_ =	shalt  }
0x5d: {  	_ =	shalt  }
0x5e: {  	_ =	shalt  }
0x5f: {  	_ =	shalt  }
0x60: {  	_ =	shalt  }
0x61: {  	_ =	shalt  }
0x62: {  	_ =	shalt  }
0x63: {  	_ =	shalt  }
0x64: {  	_ =	shalt  }
0x65: {  	_ =	shalt  }
0x66: {  	_ =	shalt  }
0x67: {  	_ =	shalt  }
0x68: {  	_ =	shalt  }
0x69: {  	_ =	shalt  }
0x6a: {  	_ =	shalt  }
0x6b: {  	_ =	shalt  }
0x6c: {  	_ =	shalt  }
0x6d: {  	_ =	shalt  }
0x6e: {  	_ =	shalt  }
0x6f: {  	_ =	shalt  }
0x70: {  	_ =	shalt  }
0x71: {  	_ =	shalt  }
0x72: {  	_ =	shalt  }
0x73: {  	_ =	shalt  }
0x74: {  	_ =	shalt  }
0x75: {  	_ =	shalt  }
0x76: {  	_ =	shalt  }
0x77: {  	_ =	shalt  }
0x78: {  	_ =	shalt  }
0x79: {  	_ =	shalt  }
0x7a: {  	_ =	shalt  }
0x7b: {  	_ =	shalt  }
0x7c: {  	_ =	shalt  }
0x7d: {  	_ =	shalt  }
0x7e: {  	_ =	shalt  }
0x7f: {  	_ =	shalt  }
0x80: {  	_ =	shalt  }
0x81: {  	_ =	shalt  }
0x82: {  	_ =	shalt  }
0x83: {  	_ =	shalt  }
0x84: {  	_ =	shalt  }
0x85: {  	_ =	shalt  }
0x86: {  	_ =	shalt  }
0x87: {  	_ =	shalt  }
.Lfunc_end0:
.L_simem_size_0:
called_computation_lowered:
.L_overlay_start_0:
0x88: {  	s2 =	sld [smem:$0x3FD9]  }
0x89: {  	s3 =	sld [smem:$0x3FFE];
	_ =	sdelay $0x1  }
0x8a: {  	s1 =	srdreg.scid  }
0x8b: {  	s0 =	sand.u32 $0x1, s1  }
0x8c: {  	s17 =	sshll.u32 s0, $0xA;
	s2 =	sadd.s32 s3, s2  }
0x8d: {  	s2 =	sadd.s32 s2, s17  }
0x8e: {  	[smem:$0x3FC1] =	sst s2  }
0x8f: {  	_ = 	snop  }
0x90: {  	s2 =	sld [smem:$0x3FD0];
	(tm) =	ssettm $0x1  }
0x91: {  	s18 =	sld [smem:$0x3FFB];
	_ =	sdelay $0x3  }
0x92: {  	_ =	strace s18  }
0x93: {  	s3 =	sld [smem:$0x3FFC];
	_ =	sdelay $0x3  }
0x94: {  	_ =	strace s3  }
0x95: {  	s3 =	sld [smem:$0x3FFD];
	_ =	sdelay $0x3  }
0x96: {  	_ =	strace s3  }
0x97: {  	_ =	strace $0x8FFFFFFF  }
0x98: {  	s19 =	sld [smem:$0x3FDB];
	_ =	sdelay $0x1  }
0x99: {  	s4 =	simm.s32 $_scs_section_size  }
0x9a: {  	s5 =	simm.s32 $_size__tile_overlayer_lowered;
	s6 =	simm.s32 $_tile_overlayer_lowered  }
0x9b: {  	s22 =	simm.s32 $0x1BFF;
	s21 =	sshll.u32 s6, $0x1;
	s3 =	sadd.s32 s4, s19  }
0x9c: {  	s7 =	simm.s32 $0x0;
	s20 =	sshll.u32 s5, $0x1;
	s5 =	sadd.s32 s21, s3  }
0x9d: {  	[timem:s7], [sflag:s22] =	dma.local [hbm:s5], s20  }
0x9e: {  	_ =	swait.ge [sflag:s22], s20  }
0x9f: {  	s4 =	ssub.s32 $0x0, s20;
	[sflag:s22] =	ssyncset.done $0x0  }
0xa0: {  	[sflag:s22] =	ssyncadd.s32 s4;
	_ =	sdelay $0x1  }
0xa1: {  	s23 =	simm.s32 $0x1B8B  }
0xa2: {  	_ =	swait.ge [sflag:s23], $0x1  }
0xa3: {  	[sflag:s23] =	ssyncset.done $0x0  }
0xa4: {  	s25 =	simm.s32 $0x1B8E;
	s24 =	sld [smem:$0x3FFE];
	[sflag:s23] =	ssyncadd.s32 $0xFFFFFFFF  }
0xa5: {  	s26 =	simm.s32 $execute0_lowered;
	[smem:$0x3FD2] =	sst s25  }
0xa6: {  	s5 =	sshll.u32 s26, $0x1;
	_ =	strace $0x80000046;
	[dreg:$0x1] =	wrdreg $0xFFFFFFFF  }
0xa7: {  	s28 =	simm.s32 $_size_execute0_lowered;
	s3 =	sadd.s32 s3, s5;
	[dreg:$0x0] =	wrdreg $0x0  }
0xa8: {  	s5 =	sshll.u32 s28, $0x1;
	[dreg:$0x2] =	wrdreg s3  }
0xa9: {  	[dreg:$0x3] =	wrdreg s5  }
0xaa: {  	[dreg:$0x4] =	wrdreg $0xC0  }
0xab: {  	_ =	task [dreg:s7], $0x5FFFF  }
0xac: {  	[dreg:$0x1] =	wrdreg $0xFFFFFFFF  }
0xad: {  	[dreg:$0x0] =	wrdreg $0x60  }
0xae: {  	[dreg:$0x2] =	wrdreg s2  }
0xaf: {  	[dreg:$0x3] =	wrdreg s24  }
0xb0: {  	[dreg:$0x4] =	wrdreg $0x9  }
0xb1: {  	_ =	task.clear_ibuf [dreg:s7], $0x5FFFF;
	_ =	strace $0x90000046  }
0xb2: {  	s29 =	simm.s32 $0x9;
	_ =	strace $0x80000048  }
0xb3: {  	_ =	swait.ge [sflag:s29], $0x1  }
0xb4: {  	[sflag:s29] =	ssyncadd.s32 $0xFFFFFFFF  }
0xb5: {  	_ =	strace $0x90000048  }
0xb6: {  	_ =	sfence  }
0xb7: {  	s30 =	sld [smem:$0x0];
	_ =	sdelay $0x2  }
0xb8: {  	s31 =	sshll.u32 s1, $0xD;
	s1 =	sshrl.u32 s1, $0x2  }
0xb9: {  	s3 =	sand.u32 $0x4000, s31;
	s1 =	sadd.s32 s1, s30  }
0xba: {  	s0 =	sor.u32 s3, s0;
	s1 =	sshll.u32 s1, $0x11  }
0xbb: {  	s0 =	sor.u32 s1, s0  }
0xbc: {  	s0 =	sadd.s32 $0x8F2B, s0  }
0xbd: {  	[sflag:s0] =	ssyncadd.remote.s32 $0x1  }
0xbe: {  	_ =	sfence.sel $0xFFFF  }
0xbf: {  	[dreg:$0x0] =	wrdreg $0xFFFFFFFF;
	(pc) =	sbr.abs _section_cstart, $3  }
0xc0: {  	[dreg:$0x1] =	wrdreg $0xFFFFFFFF  }
0xc1: {  	_ =	task.clear_ibuf [dreg:s7], $0x2FFFF;
	_ =	strace $0x9FFFFFFF  }
0xc2: {  	(tm) =	ssettm $0x7FFFFFFF  }
0xc3: {  	_ =	shalt  }
tec
execute0_lowered:
.L_overlay_start_1:
0x0: {  	(tag) =	ssettag $0x1  }
0x1: {  	s2 =	rddreg [dreg:$0x0]  }
0x2: {  	s0 =	rddreg [dreg:$0x1]  }
0x3: {  	s1 =	srdreg.scid;
	s4 =	stileid.u32;
	s3 =	simm.s32 $0x0  }
0x4: {  	s14 =	simm.s32 $0x1;
	s15 =	simm.s32 $0x0;
	s30 =	simm.s32 $0x6900  }
0x5: {  	s31 =	simm.s32 $0x7100;
	s12 =	simm.s32 $0xB100;
	s16 =	simm.s32 $0xB900  }
0x6: {  	s17 =	simm.s32 $0xC100;
	s18 =	simm.s32 $0xC900;
	s13 =	simm.s32 $0xD900  }
0x7: {  	s1 =	sand.u32 $0x1, s1;
	s4 =	sshll.u32 s4, $0x1;
	[smem:$0x7FF] =	sst s3  }
0x8: {  	s6 =	sadd.s32 $0x21400, s0;
	s19 =	sadd.s32 $0x21600, s0;
	s20 =	sadd.s32 $0x21800, s0  }
0x9: {  	s9 =	sadd.s32 $0x100, s2;
	s10 =	sadd.s32 $0x200, s2;
	s11 =	sadd.s32 $0x300, s2  }
0xa: {  	s5 =	sor.u32 s1, s4;
	_ =	strace $0x80000047;
	[dreg:$0x3] =	wrdreg s6  }
0xb: {  	[dreg:$0x4] =	wrdreg s19;
	s1 =	ssub.s32 $0x2, s1;
	s4 =	smul.u32 $0xA0, s5  }
0xc: {  	s6 =	simm.s32 $0x9900;
	s8 =	sshrl.u32 s1, $0x1;
	s5 =	smul.u32 $0x5000, s5  }
0xd: {  	s19 =	simm.s32 $0xD100;
	s1 =	ssub.s32 s1, s8;
	s21 =	sadd.s32 $0x3480, s4  }
0xe: {  	s8 =	simm.s32 $0xA900;
	s22 =	sadd.s32 s20, s5;
	[dreg:$0x6] =	wrdreg s21  }
0xf: {  	s7 =	sshrl.u32 s4, $0x3;
	s23 =	sadd.s32 $0x28, s4;
	[dreg:$0x7] =	wrdreg s22  }
0x10: {  	s24 =	sadd.s32 $0x50, s4;
	s25 =	sadd.s32 $0x78, s4;
	[dreg:$0x8] =	wrdreg s23  }
0x11: {  	s29 =	smax.u32 s1, $0x1;
	s0 =	sadd.s32 s7, s0;
	[dreg:$0x9] =	wrdreg s24  }
0x12: {  	s5 =	sshll.u32 s24, $0x7;
	[dreg:$0xa] =	wrdreg s25;
	s7 =	sshll.u32 s25, $0x7  }
0x13: {  	[dreg:$0xe] =	wrdreg s29;
	s22 =	simm.s32 $0x2000;
	s21 =	simm.s32 $0x8900  }
0x14: {  	s24 =	simm.s32 $0xE100;
	s0 =	sadd.s32 $0xC1800, s0;
	s26 =	sadd.s32 s20, s5  }
0x15: {  	s28 =	sadd.s32 s20, s7;
	s5 =	simm.s32 $0x9100;
	[dreg:$0x5] =	wrdreg s0  }
0x16: {  	v0 =	vimm.s32 $0x0;
	v1 =	vimm.s32 $0x1000;
	v2 =	vlaneseq.u32;
	s7 =	simm.s32 $0xA100;
	s0 =	sshll.u32 s23, $0x7;
	[dreg:$0xc] =	wrdreg s26  }
0x17: {  	vm0 =	vmmov $0xffff;
	v3 =	vadd.s32 $0x1008, v2;
	v5 =	vshrl.u32 v2, $0x3;
	[dreg:$0xd] =	wrdreg s28;
	s23 =	simm.s32 $0x3480;
	s0 =	sadd.s32 s20, s0  }
0x18: {  	v4 =	vand.u32 $0x7, v2;
	v6 =	vor.u32 $0x8, v2;
	v5 =	vmul.u32 $0x8, v5;
	s20 =	simm.s32 $0x2;
	[dreg:$0xb] =	wrdreg s0;
	s0 =	simm.s32 $0x4900  }
.LBB2_1:
0x19: {  	s25 =	rddreg [dreg:$0x3]  }
0x1a: {  	[tilespmem:s3], [sflag:$0x2] =	stream.linear.gather [hbm4b:s25+s3], $0x1000, $0x38;
	[tilespmem:$0xE900] =	vst v63  }
0x1b: {  	_ =	swait.ge [sflag:s20], $0x1000  }
0x1c: {  	[sflag:s20] =	ssyncset.done $0x0  }
0x1d: {  	s26 =	simm.s32 $0x1000;
	s29 =	rddreg [dreg:$0x4];
	[sflag:s20] =	ssyncadd.s32 $0xFFFFF000  }
0x1e: {  	[tilespmem:s26], [sflag:$0x2] =	stream.linear.gather [hbm4b:s29+s3], $0x1000, $0x38;
	[tilespmem:$0xE900] =	vst v63  }
0x1f: {  	_ =	swait.ge [sflag:s20], $0x1000  }
0x20: {  	[sflag:s20] =	ssyncset.done $0x0  }
0x21: {  	s25 =	simm.s32 $0x0;
	[sflag:s20] =	ssyncadd.s32 $0xFFFFF000  }
.LBB2_2:
0x22: {  	p0 =	sne.s32 s25, $0x5000  }
.Ltmp0:
0x23: {  	_ = 	snop;
	(pc) =	sbr.rel @p0 .LBB2_2-.Ltmp0, $4  }
0x24: {  	_ = 	snop  }
0x25: {  	s26 =	sshra.s32 s25, $0x2  }
0x26: {  	[tilespmem:s26+$0x2000] =	vst v0  }
0x27: {  	s25 =	sadd.s32 $0x40, s25;
	[tilespmem:s26+$0x3480] =	vst v1  }
0x28: {  	s25 =	simm.s32 $0x0  }
0x29: {  	s26 =	simm.s32 $0x1000;
	v8 =	vld [tilespmem:s25+$0x0]  }
0x2a: {  	v7 =	vld [tilespmem:s26+$0x0];
	_ =	sdelay $0x1  }
0x2b: {  	s28 =	simm.s32 $0x10;
	s29 =	simm.s32 $0x0  }
.LBB2_4:
0x2c: {  	p0 =	sne.s32 s28, $0xFF0;
	_ =	sdelay $0x2  }
0x2d: {  	v9 =	vor.u32 s25, v2  }
0x2e: {  	[tilespmem:v8+s22+$0x0] =	vst.idx.msk $0xffff, v9  }
0x2f: {  	[tilespmem:v7+s22+$0x0] =	vst.idx.msk $0xffff, v9  }
0x30: {  	[tilespmem:v8+s23+$0x0] =	vst.idx.msk $0xffff, v9;
	v8 =	vadd.s32 s25, v3;
	s25 =	smov.u32 s28  }
.Ltmp1:
0x31: {  	s29 =	sadd.s32 $0x10, s29;
	[tilespmem:v7+s23+$0x0] =	vst.idx.msk $0xffff, v8;
	(pc) =	sbr.rel @p0 .LBB2_4-.Ltmp1, $3  }
0x32: {  	s26 =	sadd.s32 $0x10, s26;
	v8 =	vld [tilespmem:s29+$0x0]  }
0x33: {  	v7 =	vld [tilespmem:s26+$0x0];
	_ =	sdelay $0x1  }
0x34: {  	s28 =	sadd.s32 $0x10, s28  }
0x35: {  	_ =	sdelay $0x3  }
0x36: {  	v9 =	vor.u32 s25, v2  }
0x37: {  	[tilespmem:v8+s22+$0x0] =	vst.idx.msk $0xffff, v9  }
0x38: {  	[tilespmem:v7+s22+$0x0] =	vst.idx.msk $0xffff, v9  }
0x39: {  	v10 =	vadd.s32 s25, v3;
	s1 =	rddreg [dreg:$0x5];
	[tilespmem:v8+s23+$0x0] =	vst.idx.msk $0xffff, v9  }
0x3a: {  	s26 =	rddreg [dreg:$0x6];
	[tilespmem:v7+s23+$0x0] =	vst.idx.msk $0xffff, v10  }
0x3b: {  	[hbm4b:s1+s3] =	stream.linear.scatter [tilespmem:s26], [sflag:$0x2], $0xA0, $0x38;
	[tilespmem:$0xE900] =	vst v63  }
0x3c: {  	_ =	swait.ge [sflag:s20], $0xA0  }
0x3d: {  	[sflag:s20] =	ssyncset.done $0x0  }
0x3e: {  	[sflag:s20] =	ssyncadd.s32 $0xFFFFFF60  }
0x3f: {  	v7 =	vld [tilespmem:s4+$0x2000];
	_ =	sdelay $0x4  }
0x40: {  	v8 =	vshll.u32 v7, $0x3  }
0x41: {  	v7 =	vand.u32 $0x7, v7;
	v8 =	vand.u32 $0xFFFFFFC0, v8  }
0x42: {  	v7 =	vor.u32 v7, v8  }
0x43: {  	v8 =	vperm.xlane v7, v4;
	_ =	sdelay $0x1  }
0x44: {  	v8 =	vadd.s32 v5, v8;
	_ =	sdelay $0x4  }
0x45: {  	[tilespmem:s0], [sflag:$0x1] =	stream.indirect_vreg.gather [hbm4b:s2+s3], $0x80, v8, vm0, $0xb8;
	[tilespmem:$0xE900] =	vst v63  }
0x46: {  	s26 =	simm.s32 $0x5100;
	v7 =	vperm.xlane v7, v6  }
0x47: {  	[tilespmem:s26], [sflag:$0x1] =	stream.indirect_vreg.gather [hbm4b:s9+s3], $0x80, v8, vm0, $0xb8;
	[tilespmem:$0xE900] =	vst v63  }
0x48: {  	s28 =	simm.s32 $0x5900;
	v7 =	vadd.s32 v5, v7  }
0x49: {  	[tilespmem:s28], [sflag:$0x1] =	stream.indirect_vreg.gather [hbm4b:s10+s3], $0x80, v8, vm0, $0xb8;
	[tilespmem:$0xE900] =	vst v63  }
0x4a: {  	s29 =	simm.s32 $0x6100  }
0x4b: {  	[tilespmem:s29], [sflag:$0x1] =	stream.indirect_vreg.gather [hbm4b:s11+s3], $0x80, v8, vm0, $0xb8;
	[tilespmem:$0xE900] =	vst v63  }
0x4c: {  	_ = 	snop  }
0x4d: {  	[tilespmem:s30], [sflag:$0x1] =	stream.indirect_vreg.gather [hbm4b:s2+s3], $0x80, v7, vm0, $0xb8;
	[tilespmem:$0xE900] =	vst v63  }
0x4e: {  	_ = 	snop  }
0x4f: {  	[tilespmem:s31], [sflag:$0x1] =	stream.indirect_vreg.gather [hbm4b:s9+s3], $0x80, v7, vm0, $0xb8;
	[tilespmem:$0xE900] =	vst v63  }
0x50: {  	s1 =	simm.s32 $0x7900  }
0x51: {  	[tilespmem:s1], [sflag:$0x1] =	stream.indirect_vreg.gather [hbm4b:s10+s3], $0x80, v7, vm0, $0xb8;
	[tilespmem:$0xE900] =	vst v63  }
0x52: {  	s25 =	simm.s32 $0x8100  }
0x53: {  	[tilespmem:s25], [sflag:$0x1] =	stream.indirect_vreg.gather [hbm4b:s11+s3], $0x80, v7, vm0, $0xb8;
	[tilespmem:$0xE900] =	vst v63  }
0x54: {  	v7 =	vld [tilespmem:s4+$0x2010];
	_ =	sdelay $0x4  }
0x55: {  	v8 =	vshll.u32 v7, $0x3  }
0x56: {  	v7 =	vand.u32 $0x7, v7;
	v8 =	vand.u32 $0xFFFFFFC0, v8  }
0x57: {  	v7 =	vor.u32 v7, v8  }
0x58: {  	v8 =	vperm.xlane v7, v4;
	_ =	sdelay $0x1  }
0x59: {  	v8 =	vadd.s32 v5, v8;
	_ =	sdelay $0x4  }
0x5a: {  	[tilespmem:s21], [sflag:$0x1] =	stream.indirect_vreg.gather [hbm4b:s2+s3], $0x80, v8, vm0, $0xb8;
	[tilespmem:$0xE900] =	vst v63  }
0x5b: {  	v7 =	vperm.xlane v7, v6  }
0x5c: {  	[tilespmem:s5], [sflag:$0x1] =	stream.indirect_vreg.gather [hbm4b:s9+s3], $0x80, v8, vm0, $0xb8;
	[tilespmem:$0xE900] =	vst v63  }
0x5d: {  	v7 =	vadd.s32 v5, v7  }
0x5e: {  	[tilespmem:s6], [sflag:$0x1] =	stream.indirect_vreg.gather [hbm4b:s10+s3], $0x80, v8, vm0, $0xb8;
	[tilespmem:$0xE900] =	vst v63  }
0x5f: {  	_ = 	snop  }
0x60: {  	[tilespmem:s7], [sflag:$0x1] =	stream.indirect_vreg.gather [hbm4b:s11+s3], $0x80, v8, vm0, $0xb8;
	[tilespmem:$0xE900] =	vst v63  }
0x61: {  	_ = 	snop  }
0x62: {  	[tilespmem:s8], [sflag:$0x1] =	stream.indirect_vreg.gather [hbm4b:s2+s3], $0x80, v7, vm0, $0xb8;
	[tilespmem:$0xE900] =	vst v63  }
0x63: {  	_ = 	snop  }
0x64: {  	[tilespmem:s12], [sflag:$0x1] =	stream.indirect_vreg.gather [hbm4b:s9+s3], $0x80, v7, vm0, $0xb8;
	[tilespmem:$0xE900] =	vst v63  }
0x65: {  	_ = 	snop  }
0x66: {  	[tilespmem:s16], [sflag:$0x1] =	stream.indirect_vreg.gather [hbm4b:s10+s3], $0x80, v7, vm0, $0xb8;
	[tilespmem:$0xE900] =	vst v63  }
0x67: {  	_ = 	snop  }
0x68: {  	[tilespmem:s17], [sflag:$0x1] =	stream.indirect_vreg.gather [hbm4b:s11+s3], $0x80, v7, vm0, $0xb8;
	[tilespmem:$0xE900] =	vst v63  }
0x69: {  	v7 =	vld.msk [tilespmem:s4+$0x2020], $0xff;
	_ =	sdelay $0x4  }
0x6a: {  	v8 =	vshll.u32 v7, $0x3  }
0x6b: {  	v7 =	vand.u32 $0x7, v7;
	v8 =	vand.u32 $0xFFFFFFC0, v8  }
0x6c: {  	v7 =	vor.u32 v7, v8  }
0x6d: {  	v7 =	vperm.xlane v7, v4;
	_ =	sdelay $0x1  }
0x6e: {  	v7 =	vadd.s32 v5, v7;
	_ =	sdelay $0x4  }
0x6f: {  	[tilespmem:s18], [sflag:$0x1] =	stream.indirect_vreg.gather [hbm4b:s2+s3], $0x80, v7, vm0, $0xb8;
	[tilespmem:$0xE900] =	vst v63  }
0x70: {  	_ = 	snop  }
0x71: {  	[tilespmem:s19], [sflag:$0x1] =	stream.indirect_vreg.gather [hbm4b:s9+s3], $0x80, v7, vm0, $0xb8;
	[tilespmem:$0xE900] =	vst v63  }
0x72: {  	_ = 	snop  }
0x73: {  	[tilespmem:s13], [sflag:$0x1] =	stream.indirect_vreg.gather [hbm4b:s10+s3], $0x80, v7, vm0, $0xb8;
	[tilespmem:$0xE900] =	vst v63  }
0x74: {  	_ = 	snop  }
0x75: {  	[tilespmem:s24], [sflag:$0x1] =	stream.indirect_vreg.gather [hbm4b:s11+s3], $0x80, v7, vm0, $0xb8;
	[tilespmem:$0xE900] =	vst v63  }
0x76: {  	_ =	swait.ge [sflag:s14], $0xA000  }
0x77: {  	[sflag:s14] =	ssyncset.done $0x0  }
0x78: {  	s1 =	rddreg [dreg:$0x7];
	[sflag:s14] =	ssyncadd.s32 $0xFFFF6000  }
0x79: {  	[hbm4b:s1+s3] =	stream.linear.scatter [tilespmem:s0], [sflag:$0x2], $0xA000, $0x38;
	[tilespmem:$0xE900] =	vst v63  }
0x7a: {  	_ =	swait.ge [sflag:s20], $0xA000  }
0x7b: {  	[sflag:s20] =	ssyncset.done $0x0  }
0x7c: {  	s25 =	rddreg [dreg:$0x8];
	[sflag:s20] =	ssyncadd.s32 $0xFFFF6000  }
0x7d: {  	v7 =	vld [tilespmem:s25+$0x2000];
	_ =	sdelay $0x4  }
0x7e: {  	v8 =	vshll.u32 v7, $0x3  }
0x7f: {  	v7 =	vand.u32 $0x7, v7;
	v8 =	vand.u32 $0xFFFFFFC0, v8  }
0x80: {  	v7 =	vor.u32 v7, v8  }
0x81: {  	v8 =	vperm.xlane v7, v4;
	_ =	sdelay $0x1  }
0x82: {  	v8 =	vadd.s32 v5, v8;
	_ =	sdelay $0x4  }
0x83: {  	[tilespmem:s0], [sflag:$0x1] =	stream.indirect_vreg.gather [hbm4b:s2+s3], $0x80, v8, vm0, $0xb8;
	[tilespmem:$0xE900] =	vst v63  }
0x84: {  	v7 =	vperm.xlane v7, v6  }
0x85: {  	[tilespmem:s26], [sflag:$0x1] =	stream.indirect_vreg.gather [hbm4b:s9+s3], $0x80, v8, vm0, $0xb8;
	[tilespmem:$0xE900] =	vst v63  }
0x86: {  	v7 =	vadd.s32 v5, v7  }
0x87: {  	[tilespmem:s28], [sflag:$0x1] =	stream.indirect_vreg.gather [hbm4b:s10+s3], $0x80, v8, vm0, $0xb8;
	[tilespmem:$0xE900] =	vst v63  }
0x88: {  	_ = 	snop  }
0x89: {  	[tilespmem:s29], [sflag:$0x1] =	stream.indirect_vreg.gather [hbm4b:s11+s3], $0x80, v8, vm0, $0xb8;
	[tilespmem:$0xE900] =	vst v63  }
0x8a: {  	_ = 	snop  }
0x8b: {  	[tilespmem:s30], [sflag:$0x1] =	stream.indirect_vreg.gather [hbm4b:s2+s3], $0x80, v7, vm0, $0xb8;
	[tilespmem:$0xE900] =	vst v63  }
0x8c: {  	_ = 	snop  }
0x8d: {  	[tilespmem:s31], [sflag:$0x1] =	stream.indirect_vreg.gather [hbm4b:s9+s3], $0x80, v7, vm0, $0xb8;
	[tilespmem:$0xE900] =	vst v63  }
0x8e: {  	s1 =	simm.s32 $0x7900  }
0x8f: {  	[tilespmem:s1], [sflag:$0x1] =	stream.indirect_vreg.gather [hbm4b:s10+s3], $0x80, v7, vm0, $0xb8;
	[tilespmem:$0xE900] =	vst v63  }
0x90: {  	s1 =	simm.s32 $0x8100  }
0x91: {  	[tilespmem:s1], [sflag:$0x1] =	stream.indirect_vreg.gather [hbm4b:s11+s3], $0x80, v7, vm0, $0xb8;
	[tilespmem:$0xE900] =	vst v63  }
0x92: {  	v7 =	vld [tilespmem:s25+$0x2010];
	_ =	sdelay $0x4  }
0x93: {  	v8 =	vshll.u32 v7, $0x3  }
0x94: {  	v7 =	vand.u32 $0x7, v7;
	v8 =	vand.u32 $0xFFFFFFC0, v8  }
0x95: {  	v7 =	vor.u32 v7, v8  }
0x96: {  	v8 =	vperm.xlane v7, v4;
	_ =	sdelay $0x1  }
0x97: {  	v8 =	vadd.s32 v5, v8;
	_ =	sdelay $0x4  }
0x98: {  	[tilespmem:s21], [sflag:$0x1] =	stream.indirect_vreg.gather [hbm4b:s2+s3], $0x80, v8, vm0, $0xb8;
	[tilespmem:$0xE900] =	vst v63  }
0x99: {  	v7 =	vperm.xlane v7, v6  }
0x9a: {  	[tilespmem:s5], [sflag:$0x1] =	stream.indirect_vreg.gather [hbm4b:s9+s3], $0x80, v8, vm0, $0xb8;
	[tilespmem:$0xE900] =	vst v63  }
0x9b: {  	v7 =	vadd.s32 v5, v7  }
0x9c: {  	[tilespmem:s6], [sflag:$0x1] =	stream.indirect_vreg.gather [hbm4b:s10+s3], $0x80, v8, vm0, $0xb8;
	[tilespmem:$0xE900] =	vst v63  }
0x9d: {  	_ = 	snop  }
0x9e: {  	[tilespmem:s7], [sflag:$0x1] =	stream.indirect_vreg.gather [hbm4b:s11+s3], $0x80, v8, vm0, $0xb8;
	[tilespmem:$0xE900] =	vst v63  }
0x9f: {  	_ = 	snop  }
0xa0: {  	[tilespmem:s8], [sflag:$0x1] =	stream.indirect_vreg.gather [hbm4b:s2+s3], $0x80, v7, vm0, $0xb8;
	[tilespmem:$0xE900] =	vst v63  }
0xa1: {  	_ = 	snop  }
0xa2: {  	[tilespmem:s12], [sflag:$0x1] =	stream.indirect_vreg.gather [hbm4b:s9+s3], $0x80, v7, vm0, $0xb8;
	[tilespmem:$0xE900] =	vst v63  }
0xa3: {  	_ = 	snop  }
0xa4: {  	[tilespmem:s16], [sflag:$0x1] =	stream.indirect_vreg.gather [hbm4b:s10+s3], $0x80, v7, vm0, $0xb8;
	[tilespmem:$0xE900] =	vst v63  }
0xa5: {  	_ = 	snop  }
0xa6: {  	[tilespmem:s17], [sflag:$0x1] =	stream.indirect_vreg.gather [hbm4b:s11+s3], $0x80, v7, vm0, $0xb8;
	[tilespmem:$0xE900] =	vst v63  }
0xa7: {  	v7 =	vld.msk [tilespmem:s4+$0x2048], $0xff;
	_ =	sdelay $0x4  }
0xa8: {  	v8 =	vshll.u32 v7, $0x3  }
0xa9: {  	v7 =	vand.u32 $0x7, v7;
	v8 =	vand.u32 $0xFFFFFFC0, v8  }
0xaa: {  	v7 =	vor.u32 v7, v8  }
0xab: {  	v7 =	vperm.xlane v7, v4;
	_ =	sdelay $0x1  }
0xac: {  	v7 =	vadd.s32 v5, v7;
	_ =	sdelay $0x4  }
0xad: {  	[tilespmem:s18], [sflag:$0x1] =	stream.indirect_vreg.gather [hbm4b:s2+s3], $0x80, v7, vm0, $0xb8;
	[tilespmem:$0xE900] =	vst v63  }
0xae: {  	_ = 	snop  }
0xaf: {  	[tilespmem:s19], [sflag:$0x1] =	stream.indirect_vreg.gather [hbm4b:s9+s3], $0x80, v7, vm0, $0xb8;
	[tilespmem:$0xE900] =	vst v63  }
0xb0: {  	_ = 	snop  }
0xb1: {  	[tilespmem:s13], [sflag:$0x1] =	stream.indirect_vreg.gather [hbm4b:s10+s3], $0x80, v7, vm0, $0xb8;
	[tilespmem:$0xE900] =	vst v63  }
0xb2: {  	_ = 	snop  }
0xb3: {  	[tilespmem:s24], [sflag:$0x1] =	stream.indirect_vreg.gather [hbm4b:s11+s3], $0x80, v7, vm0, $0xb8;
	[tilespmem:$0xE900] =	vst v63  }
0xb4: {  	_ =	swait.ge [sflag:s14], $0xA000  }
0xb5: {  	[sflag:s14] =	ssyncset.done $0x0  }
0xb6: {  	s1 =	rddreg [dreg:$0xb];
	[sflag:s14] =	ssyncadd.s32 $0xFFFF6000  }
0xb7: {  	[hbm4b:s1+s3] =	stream.linear.scatter [tilespmem:s0], [sflag:$0x2], $0xA000, $0x38;
	[tilespmem:$0xE900] =	vst v63  }
0xb8: {  	_ =	swait.ge [sflag:s20], $0xA000  }
0xb9: {  	[sflag:s20] =	ssyncset.done $0x0  }
0xba: {  	s25 =	rddreg [dreg:$0x9];
	[sflag:s20] =	ssyncadd.s32 $0xFFFF6000  }
0xbb: {  	v7 =	vld [tilespmem:s25+$0x2000];
	_ =	sdelay $0x4  }
0xbc: {  	v8 =	vshll.u32 v7, $0x3  }
0xbd: {  	v7 =	vand.u32 $0x7, v7;
	v8 =	vand.u32 $0xFFFFFFC0, v8  }
0xbe: {  	v7 =	vor.u32 v7, v8  }
0xbf: {  	v8 =	vperm.xlane v7, v4;
	_ =	sdelay $0x1  }
0xc0: {  	v8 =	vadd.s32 v5, v8;
	_ =	sdelay $0x4  }
0xc1: {  	[tilespmem:s0], [sflag:$0x1] =	stream.indirect_vreg.gather [hbm4b:s2+s3], $0x80, v8, vm0, $0xb8;
	[tilespmem:$0xE900] =	vst v63  }
0xc2: {  	v7 =	vperm.xlane v7, v6  }
0xc3: {  	[tilespmem:s26], [sflag:$0x1] =	stream.indirect_vreg.gather [hbm4b:s9+s3], $0x80, v8, vm0, $0xb8;
	[tilespmem:$0xE900] =	vst v63  }
0xc4: {  	v7 =	vadd.s32 v5, v7  }
0xc5: {  	[tilespmem:s28], [sflag:$0x1] =	stream.indirect_vreg.gather [hbm4b:s10+s3], $0x80, v8, vm0, $0xb8;
	[tilespmem:$0xE900] =	vst v63  }
0xc6: {  	_ = 	snop  }
0xc7: {  	[tilespmem:s29], [sflag:$0x1] =	stream.indirect_vreg.gather [hbm4b:s11+s3], $0x80, v8, vm0, $0xb8;
	[tilespmem:$0xE900] =	vst v63  }
0xc8: {  	_ = 	snop  }
0xc9: {  	[tilespmem:s30], [sflag:$0x1] =	stream.indirect_vreg.gather [hbm4b:s2+s3], $0x80, v7, vm0, $0xb8;
	[tilespmem:$0xE900] =	vst v63  }
0xca: {  	_ = 	snop  }
0xcb: {  	[tilespmem:s31], [sflag:$0x1] =	stream.indirect_vreg.gather [hbm4b:s9+s3], $0x80, v7, vm0, $0xb8;
	[tilespmem:$0xE900] =	vst v63  }
0xcc: {  	s1 =	simm.s32 $0x7900  }
0xcd: {  	[tilespmem:s1], [sflag:$0x1] =	stream.indirect_vreg.gather [hbm4b:s10+s3], $0x80, v7, vm0, $0xb8;
	[tilespmem:$0xE900] =	vst v63  }
0xce: {  	s1 =	simm.s32 $0x8100  }
0xcf: {  	[tilespmem:s1], [sflag:$0x1] =	stream.indirect_vreg.gather [hbm4b:s11+s3], $0x80, v7, vm0, $0xb8;
	[tilespmem:$0xE900] =	vst v63  }
0xd0: {  	v7 =	vld [tilespmem:s25+$0x2010];
	_ =	sdelay $0x4  }
0xd1: {  	v8 =	vshll.u32 v7, $0x3  }
0xd2: {  	v7 =	vand.u32 $0x7, v7;
	v8 =	vand.u32 $0xFFFFFFC0, v8  }
0xd3: {  	v7 =	vor.u32 v7, v8  }
0xd4: {  	v8 =	vperm.xlane v7, v4;
	_ =	sdelay $0x1  }
0xd5: {  	v8 =	vadd.s32 v5, v8;
	_ =	sdelay $0x4  }
0xd6: {  	[tilespmem:s21], [sflag:$0x1] =	stream.indirect_vreg.gather [hbm4b:s2+s3], $0x80, v8, vm0, $0xb8;
	[tilespmem:$0xE900] =	vst v63  }
0xd7: {  	v7 =	vperm.xlane v7, v6  }
0xd8: {  	[tilespmem:s5], [sflag:$0x1] =	stream.indirect_vreg.gather [hbm4b:s9+s3], $0x80, v8, vm0, $0xb8;
	[tilespmem:$0xE900] =	vst v63  }
0xd9: {  	v7 =	vadd.s32 v5, v7  }
0xda: {  	[tilespmem:s6], [sflag:$0x1] =	stream.indirect_vreg.gather [hbm4b:s10+s3], $0x80, v8, vm0, $0xb8;
	[tilespmem:$0xE900] =	vst v63  }
0xdb: {  	_ = 	snop  }
0xdc: {  	[tilespmem:s7], [sflag:$0x1] =	stream.indirect_vreg.gather [hbm4b:s11+s3], $0x80, v8, vm0, $0xb8;
	[tilespmem:$0xE900] =	vst v63  }
0xdd: {  	_ = 	snop  }
0xde: {  	[tilespmem:s8], [sflag:$0x1] =	stream.indirect_vreg.gather [hbm4b:s2+s3], $0x80, v7, vm0, $0xb8;
	[tilespmem:$0xE900] =	vst v63  }
0xdf: {  	_ = 	snop  }
0xe0: {  	[tilespmem:s12], [sflag:$0x1] =	stream.indirect_vreg.gather [hbm4b:s9+s3], $0x80, v7, vm0, $0xb8;
	[tilespmem:$0xE900] =	vst v63  }
0xe1: {  	_ = 	snop  }
0xe2: {  	[tilespmem:s16], [sflag:$0x1] =	stream.indirect_vreg.gather [hbm4b:s10+s3], $0x80, v7, vm0, $0xb8;
	[tilespmem:$0xE900] =	vst v63  }
0xe3: {  	_ = 	snop  }
0xe4: {  	[tilespmem:s17], [sflag:$0x1] =	stream.indirect_vreg.gather [hbm4b:s11+s3], $0x80, v7, vm0, $0xb8;
	[tilespmem:$0xE900] =	vst v63  }
0xe5: {  	v7 =	vld.msk [tilespmem:s4+$0x2070], $0xff;
	_ =	sdelay $0x4  }
0xe6: {  	v8 =	vshll.u32 v7, $0x3  }
0xe7: {  	v7 =	vand.u32 $0x7, v7;
	v8 =	vand.u32 $0xFFFFFFC0, v8  }
0xe8: {  	v7 =	vor.u32 v7, v8  }
0xe9: {  	v7 =	vperm.xlane v7, v4;
	_ =	sdelay $0x1  }
0xea: {  	v7 =	vadd.s32 v5, v7;
	_ =	sdelay $0x4  }
0xeb: {  	[tilespmem:s18], [sflag:$0x1] =	stream.indirect_vreg.gather [hbm4b:s2+s3], $0x80, v7, vm0, $0xb8;
	[tilespmem:$0xE900] =	vst v63  }
0xec: {  	_ = 	snop  }
0xed: {  	[tilespmem:s19], [sflag:$0x1] =	stream.indirect_vreg.gather [hbm4b:s9+s3], $0x80, v7, vm0, $0xb8;
	[tilespmem:$0xE900] =	vst v63  }
0xee: {  	_ = 	snop  }
0xef: {  	[tilespmem:s13], [sflag:$0x1] =	stream.indirect_vreg.gather [hbm4b:s10+s3], $0x80, v7, vm0, $0xb8;
	[tilespmem:$0xE900] =	vst v63  }
0xf0: {  	_ = 	snop  }
0xf1: {  	[tilespmem:s24], [sflag:$0x1] =	stream.indirect_vreg.gather [hbm4b:s11+s3], $0x80, v7, vm0, $0xb8;
	[tilespmem:$0xE900] =	vst v63  }
0xf2: {  	_ =	swait.ge [sflag:s14], $0xA000  }
0xf3: {  	[sflag:s14] =	ssyncset.done $0x0  }
0xf4: {  	s25 =	rddreg [dreg:$0xc];
	[sflag:s14] =	ssyncadd.s32 $0xFFFF6000  }
0xf5: {  	[hbm4b:s25+s3] =	stream.linear.scatter [tilespmem:s0], [sflag:$0x2], $0xA000, $0x38;
	[tilespmem:$0xE900] =	vst v63  }
0xf6: {  	_ =	swait.ge [sflag:s20], $0xA000  }
0xf7: {  	[sflag:s20] =	ssyncset.done $0x0  }
0xf8: {  	s25 =	rddreg [dreg:$0xa];
	[sflag:s20] =	ssyncadd.s32 $0xFFFF6000  }
0xf9: {  	v7 =	vld [tilespmem:s25+$0x2000];
	_ =	sdelay $0x4  }
0xfa: {  	v8 =	vshll.u32 v7, $0x3  }
0xfb: {  	v7 =	vand.u32 $0x7, v7;
	v8 =	vand.u32 $0xFFFFFFC0, v8  }
0xfc: {  	v7 =	vor.u32 v7, v8  }
0xfd: {  	v8 =	vperm.xlane v7, v4;
	_ =	sdelay $0x1  }
0xfe: {  	v8 =	vadd.s32 v5, v8;
	_ =	sdelay $0x4  }
0xff: {  	[tilespmem:s0], [sflag:$0x1] =	stream.indirect_vreg.gather [hbm4b:s2+s3], $0x80, v8, vm0, $0xb8;
	[tilespmem:$0xE900] =	vst v63  }
0x100: {  	v7 =	vperm.xlane v7, v6  }
0x101: {  	[tilespmem:s26], [sflag:$0x1] =	stream.indirect_vreg.gather [hbm4b:s9+s3], $0x80, v8, vm0, $0xb8;
	[tilespmem:$0xE900] =	vst v63  }
0x102: {  	v7 =	vadd.s32 v5, v7  }
0x103: {  	[tilespmem:s28], [sflag:$0x1] =	stream.indirect_vreg.gather [hbm4b:s10+s3], $0x80, v8, vm0, $0xb8;
	[tilespmem:$0xE900] =	vst v63  }
0x104: {  	_ = 	snop  }
0x105: {  	[tilespmem:s29], [sflag:$0x1] =	stream.indirect_vreg.gather [hbm4b:s11+s3], $0x80, v8, vm0, $0xb8;
	[tilespmem:$0xE900] =	vst v63  }
0x106: {  	_ = 	snop  }
0x107: {  	[tilespmem:s30], [sflag:$0x1] =	stream.indirect_vreg.gather [hbm4b:s2+s3], $0x80, v7, vm0, $0xb8;
	[tilespmem:$0xE900] =	vst v63  }
0x108: {  	_ = 	snop  }
0x109: {  	[tilespmem:s31], [sflag:$0x1] =	stream.indirect_vreg.gather [hbm4b:s9+s3], $0x80, v7, vm0, $0xb8;
	[tilespmem:$0xE900] =	vst v63  }
0x10a: {  	s29 =	simm.s32 $0x7900  }
0x10b: {  	[tilespmem:s29], [sflag:$0x1] =	stream.indirect_vreg.gather [hbm4b:s10+s3], $0x80, v7, vm0, $0xb8;
	[tilespmem:$0xE900] =	vst v63  }
0x10c: {  	_ = 	snop  }
0x10d: {  	[tilespmem:s1], [sflag:$0x1] =	stream.indirect_vreg.gather [hbm4b:s11+s3], $0x80, v7, vm0, $0xb8;
	[tilespmem:$0xE900] =	vst v63  }
0x10e: {  	v7 =	vld [tilespmem:s25+$0x2010];
	_ =	sdelay $0x4  }
0x10f: {  	v8 =	vshll.u32 v7, $0x3  }
0x110: {  	v7 =	vand.u32 $0x7, v7;
	v8 =	vand.u32 $0xFFFFFFC0, v8  }
0x111: {  	v7 =	vor.u32 v7, v8  }
0x112: {  	v8 =	vperm.xlane v7, v4;
	_ =	sdelay $0x1  }
0x113: {  	v8 =	vadd.s32 v5, v8;
	_ =	sdelay $0x4  }
0x114: {  	[tilespmem:s21], [sflag:$0x1] =	stream.indirect_vreg.gather [hbm4b:s2+s3], $0x80, v8, vm0, $0xb8;
	[tilespmem:$0xE900] =	vst v63  }
0x115: {  	v7 =	vperm.xlane v7, v6  }
0x116: {  	[tilespmem:s5], [sflag:$0x1] =	stream.indirect_vreg.gather [hbm4b:s9+s3], $0x80, v8, vm0, $0xb8;
	[tilespmem:$0xE900] =	vst v63  }
0x117: {  	v7 =	vadd.s32 v5, v7  }
0x118: {  	[tilespmem:s6], [sflag:$0x1] =	stream.indirect_vreg.gather [hbm4b:s10+s3], $0x80, v8, vm0, $0xb8;
	[tilespmem:$0xE900] =	vst v63  }
0x119: {  	_ = 	snop  }
0x11a: {  	[tilespmem:s7], [sflag:$0x1] =	stream.indirect_vreg.gather [hbm4b:s11+s3], $0x80, v8, vm0, $0xb8;
	[tilespmem:$0xE900] =	vst v63  }
0x11b: {  	_ = 	snop  }
0x11c: {  	[tilespmem:s8], [sflag:$0x1] =	stream.indirect_vreg.gather [hbm4b:s2+s3], $0x80, v7, vm0, $0xb8;
	[tilespmem:$0xE900] =	vst v63  }
0x11d: {  	_ = 	snop  }
0x11e: {  	[tilespmem:s12], [sflag:$0x1] =	stream.indirect_vreg.gather [hbm4b:s9+s3], $0x80, v7, vm0, $0xb8;
	[tilespmem:$0xE900] =	vst v63  }
0x11f: {  	_ = 	snop  }
0x120: {  	[tilespmem:s16], [sflag:$0x1] =	stream.indirect_vreg.gather [hbm4b:s10+s3], $0x80, v7, vm0, $0xb8;
	[tilespmem:$0xE900] =	vst v63  }
0x121: {  	_ = 	snop  }
0x122: {  	[tilespmem:s17], [sflag:$0x1] =	stream.indirect_vreg.gather [hbm4b:s11+s3], $0x80, v7, vm0, $0xb8;
	[tilespmem:$0xE900] =	vst v63  }
0x123: {  	v7 =	vld.msk [tilespmem:s4+$0x2098], $0xff;
	_ =	sdelay $0x4  }
0x124: {  	v8 =	vshll.u32 v7, $0x3  }
0x125: {  	v7 =	vand.u32 $0x7, v7;
	v8 =	vand.u32 $0xFFFFFFC0, v8  }
0x126: {  	v7 =	vor.u32 v7, v8  }
0x127: {  	v7 =	vperm.xlane v7, v4;
	_ =	sdelay $0x1  }
0x128: {  	v7 =	vadd.s32 v5, v7;
	_ =	sdelay $0x4  }
0x129: {  	[tilespmem:s18], [sflag:$0x1] =	stream.indirect_vreg.gather [hbm4b:s2+s3], $0x80, v7, vm0, $0xb8;
	[tilespmem:$0xE900] =	vst v63  }
0x12a: {  	_ = 	snop  }
0x12b: {  	[tilespmem:s19], [sflag:$0x1] =	stream.indirect_vreg.gather [hbm4b:s9+s3], $0x80, v7, vm0, $0xb8;
	[tilespmem:$0xE900] =	vst v63  }
0x12c: {  	_ = 	snop  }
0x12d: {  	[tilespmem:s13], [sflag:$0x1] =	stream.indirect_vreg.gather [hbm4b:s10+s3], $0x80, v7, vm0, $0xb8;
	[tilespmem:$0xE900] =	vst v63  }
0x12e: {  	_ = 	snop  }
0x12f: {  	[tilespmem:s24], [sflag:$0x1] =	stream.indirect_vreg.gather [hbm4b:s11+s3], $0x80, v7, vm0, $0xb8;
	[tilespmem:$0xE900] =	vst v63  }
0x130: {  	_ =	swait.ge [sflag:s14], $0xA000  }
0x131: {  	[sflag:s14] =	ssyncset.done $0x0  }
0x132: {  	s28 =	rddreg [dreg:$0xd];
	[sflag:s14] =	ssyncadd.s32 $0xFFFF6000  }
0x133: {  	[hbm4b:s28+s3] =	stream.linear.scatter [tilespmem:s0], [sflag:$0x2], $0xA000, $0x38;
	[tilespmem:$0xE900] =	vst v63  }
0x134: {  	_ =	swait.ge [sflag:s20], $0xA000  }
0x135: {  	s15 =	sadd.s32 $0x1, s15;
	s29 =	rddreg [dreg:$0xe]  }
0x136: {  	p0 =	sne.s32 s15, s29  }
.Ltmp2:
0x137: {  	_ = 	snop;
	(pc) =	sbr.rel @p0 .LBB2_1-.Ltmp2, $3  }
0x138: {  	_ =	sdelay $0x1  }
0x139: {  	[sflag:s20] =	ssyncset.done $0x0  }
0x13a: {  	[sflag:s20] =	ssyncadd.s32 $0xFFFF6000  }
0x13b: {  	_ =	sfence.sel $0x180000  }
0x13c: {  	[bflag:$0x0] =	sbarrier.arrive $0xFFFF  }
0x13d: {  	_ =	strace $0x90000047  }
0x13e: {  	s0 =	stileid.u32;
	[bflag:$0x2] =	sbarrier.arrive $0xFFFF  }
0x13f: {  	p0 =	sne.s32 s0, $0x0;
	s0 =	rddreg [dreg:$0x2]  }
0x140: {  	s0 =	sadd.s32 @!p0 $0x100000, s0  }
0x141: {  	[sflag:s0] =	ssyncadd.tile.s32 @!p0 $0x1;
	_ =	shalt  }
.Lfunc_end2:
_tile_overlayer_lowered:
.L_overlay_start_2:
0x142: {  	(tag) =	ssettag $0x2  }
0x143: {  	s0 =	rddreg [dreg:$0x0];
	s2 =	stileid.u32  }
0x144: {  	s1 =	rddreg [dreg:$0x1];
	p0 =	sne.s32 s2, $0x0  }
0x145: {  	s3 =	rddreg [dreg:$0x2];
	[bflag:$0x3] =	sbarrier.arrive $0xFFFF;
	s2 =	simm.s32 @!p0 $0x1C02  }
0x146: {  	[timem:s3], [sflag:s2] =	dma.local @!p0 [hbm:s0], s1  }
0x147: {  	s0 =	simm.s32 @!p0 $0x2  }
0x148: {  	_ =	swait.ge @!p0 [sflag:s0], s1  }
0x149: {  	s1 =	ssub.s32 @!p0 $0x0, s1;
	[sflag:s0] =	ssyncset.done @!p0 $0x0  }
0x14a: {  	[sflag:s0] =	ssyncadd.s32 @!p0 s1  }
0x14b: {  	[bflag:$0x3] =	sbarrier.arrive $0xFFFF  }
0x14c: {  	_ =	shalt  }

</sc_bundles>
